<compile_context>
chip_gen: v7x
topology: tpu7x:2x2x1
jax: 0.10.2.dev20260603
libtpu: 0.0.44.dev20260713+nightly
codegen_flags: <defaults>
</compile_context>

<pallas_src>
import functools

import jax
import jax.numpy as jnp
from jax import lax
from jax.experimental import pallas as pl
from jax.experimental.pallas import tpu as pltpu
from jax.experimental.pallas import tpu_sc as plsc

N = 10000
E = 320000
D = 128
G = 64
NC = 2
NS = 16
NW = NC * NS
C = 128
NCH = 80
EPW = NCH * C
RPT = 640
NP = NS * RPT
EPWR = E // NW


def _sc_mesh():
    return plsc.VectorSubcoreMesh(
        core_axis_name="c", subcore_axis_name="s", num_cores=NC, num_subcores=NS
    )



DW = 128


@functools.partial(
    pl.kernel,
    out_type=jax.ShapeDtypeStruct((NC, NP, DW), jnp.float32),
    mesh=_sc_mesh(),
    scratch_types=[
        pltpu.VMEM((NCH, C), jnp.int32),
        pltpu.VMEM((C, DW), jnp.float32),
        pltpu.VMEM_SHARED((NP, DW), jnp.float32),
    ],
)
def _deg_pass(dst_hbm, ones_hbm, z_hbm, out_hbm, idx_v, ones_v, acc):
    c = lax.axis_index("c")
    s = lax.axis_index("s")
    wid = c * NS + s
    pltpu.sync_copy(z_hbm, acc.at[pl.ds(s * RPT, RPT)])
    pltpu.sync_copy(dst_hbm.at[wid], idx_v)
    pltpu.sync_copy(ones_hbm, ones_v)
    plsc.subcore_barrier()

    def body(j, carry):
        pltpu.sync_copy(ones_v, acc.at[idx_v.at[j]], add=True)
        return carry

    lax.fori_loop(0, NCH, body, 0)
    plsc.subcore_barrier()
    pltpu.sync_copy(acc.at[pl.ds(s * RPT, RPT)],
                    out_hbm.at[c, pl.ds(s * RPT, RPT)])


@functools.partial(
    pl.kernel,
    out_type=jax.ShapeDtypeStruct((NC, NP, D), jnp.float32),
    mesh=_sc_mesh(),
    scratch_types=[
        pltpu.VMEM((NCH // 2, C), jnp.int32),
        pltpu.VMEM((NCH // 2, C), jnp.int32),
        pltpu.VMEM((C, D), jnp.float32),
        pltpu.VMEM((C, D), jnp.float32),
        pltpu.VMEM_SHARED((NP, D), jnp.float32),
        pltpu.SemaphoreType.DMA,
        pltpu.SemaphoreType.DMA,
    ],
)
def _edge_pass(g_hbm, src_hbm, dst_hbm, z_hbm, out_hbm,
               isrc_v, idst_v, rows0, rows1, acc, sem0, sem1):
    c = lax.axis_index("c")
    s = lax.axis_index("s")
    wid = c * NS + s
    nchh = NCH // 2
    pltpu.sync_copy(z_hbm, acc.at[pl.ds(s * RPT, RPT)])
    plsc.subcore_barrier()

    for h in range(2):
        pltpu.sync_copy(src_hbm.at[wid, pl.ds(h * nchh, nchh)], isrc_v)
        pltpu.sync_copy(dst_hbm.at[wid, pl.ds(h * nchh, nchh)], idst_v)
        pltpu.async_copy(g_hbm.at[isrc_v.at[0]], rows0, sem0)
        pltpu.async_copy(g_hbm.at[isrc_v.at[1]], rows1, sem1)

        def body(i, carry):
            j = 2 * i
            pltpu.make_async_copy(g_hbm.at[isrc_v.at[j]], rows0, sem0).wait()
            pltpu.sync_copy(rows0, acc.at[idst_v.at[j]], add=True)

            @pl.when(j + 2 < nchh)
            def _():
                pltpu.async_copy(g_hbm.at[isrc_v.at[j + 2]], rows0, sem0)

            pltpu.make_async_copy(g_hbm.at[isrc_v.at[j + 1]], rows1, sem1).wait()
            pltpu.sync_copy(rows1, acc.at[idst_v.at[j + 1]], add=True)

            @pl.when(j + 3 < nchh)
            def _():
                pltpu.async_copy(g_hbm.at[isrc_v.at[j + 3]], rows1, sem1)

            return carry

        lax.fori_loop(0, nchh // 2, body, 0)

    plsc.subcore_barrier()
    pltpu.sync_copy(acc.at[pl.ds(s * RPT, RPT)],
                    out_hbm.at[c, pl.ds(s * RPT, RPT)])



def _scale_body(degp_ref, x_ref, w_ref, g_ref, dinv_ref):
    deg = 1.0 + degp_ref[0, :, 0:1] + degp_ref[1, :, 0:1]
    dinv = lax.rsqrt(deg)
    ht = jnp.dot(x_ref[...], w_ref[...], preferred_element_type=jnp.float32)
    g_ref[pl.ds(0, N)] = dinv[0:N] * ht
    g_ref[pl.ds(N, NP - N)] = jnp.zeros((NP - N, D), jnp.float32)
    dinv_ref[...] = dinv


_scale_call = pl.pallas_call(
    _scale_body,
    out_shape=(
        jax.ShapeDtypeStruct((NP, D), jnp.float32),
        jax.ShapeDtypeStruct((NP, 1), jnp.float32),
    ),
)


def _layer_body(s_ref, g_ref, dinv_ref, b_ref, w_ref, out_ref):
    agg = s_ref[0] + s_ref[1] + g_ref[...]
    h = jnp.maximum(dinv_ref[...] * agg + b_ref[...], 0.0)
    out_ref[...] = dinv_ref[...] * jnp.dot(
        h, w_ref[...], preferred_element_type=jnp.float32)


_layer_call = pl.pallas_call(
    _layer_body,
    out_shape=jax.ShapeDtypeStruct((NP, D), jnp.float32),
)


def _head_body(s_ref, g_ref, dinv_ref, b2_ref, batch_ref,
               w3_ref, b3_ref, w4_ref, b4_ref, out_ref):
    agg = s_ref[0] + s_ref[1] + g_ref[...]
    h = jnp.maximum(dinv_ref[...] * agg + b2_ref[...], 0.0)
    hr = h[:N]
    onehot_t = (lax.broadcasted_iota(jnp.int32, (G, N), 0)
                == batch_ref[...]).astype(jnp.float32)
    psum = jnp.dot(onehot_t, hr, preferred_element_type=jnp.float32)
    cnt = jnp.sum(onehot_t, axis=1, keepdims=True)
    pooled = psum / jnp.maximum(cnt, 1.0)
    z = jnp.maximum(
        jnp.dot(pooled, w3_ref[...], preferred_element_type=jnp.float32)
        + b3_ref[...], 0.0)
    out_ref[...] = jnp.dot(
        z, w4_ref[...], preferred_element_type=jnp.float32) + b4_ref[...]


_head_call = pl.pallas_call(
    _head_body,
    out_shape=jax.ShapeDtypeStruct((G, D), jnp.float32),
)



def kernel(x, edge_index, batch, W1, b1, W2, b2, W3, b3, W4, b4):
    pad_w = EPW - EPWR
    pad_idx = jnp.broadcast_to(
        N + (jnp.arange(pad_w, dtype=jnp.int32) % (NP - N)), (NW, pad_w))
    srcp = jnp.concatenate(
        [edge_index[0].reshape(NW, EPWR), pad_idx], axis=1).reshape(NW, NCH, C)
    dstp = jnp.concatenate(
        [edge_index[1].reshape(NW, EPWR), pad_idx], axis=1).reshape(NW, NCH, C)
    z128 = jnp.zeros((RPT, D), jnp.float32)
    zdw = jnp.zeros((RPT, DW), jnp.float32)
    onesdw = jnp.ones((C, DW), jnp.float32)

    degp = _deg_pass(dstp, onesdw, zdw)
    g1, dinv = _scale_call(degp, x, W1)
    s1 = _edge_pass(g1, srcp, dstp, z128)
    g2 = _layer_call(s1, g1, dinv, b1.reshape(1, D), W2)
    s2 = _edge_pass(g2, srcp, dstp, z128)
    out = _head_call(s2, g2, dinv, b2.reshape(1, D), batch.reshape(1, N),
                     W3, b3.reshape(1, D), W4, b4.reshape(1, D))
    return out

# --- scband reference (transcript-rebuilt; emitter-appended) ---
"""Pipeline reference for scband-protein-gnnencoder-29008209117390 (READ-ONLY COPY).

The authoritative reference and input builder live on the scoring server;
editing this copy changes nothing except your own understanding.
"""

import jax, jax.numpy as jnp
import numpy as np

N_NODES = 10000
N_EDGES = 320000
D_IN = 128
D_HID = 128
D_OUT = 128
N_GRAPHS = 64


def setup_inputs(seed: int = 0) -> dict:
    key = jax.random.key(seed)
    ks = jax.random.split(key, 12)
    x = jax.random.normal(ks[0], (N_NODES, D_IN), dtype=jnp.float32)
    edge_index = jax.random.randint(ks[1], (2, N_EDGES), 0, N_NODES, dtype=jnp.int32)
    batch = jnp.sort(jax.random.randint(ks[2], (N_NODES,), 0, N_GRAPHS, dtype=jnp.int32))
    s1 = 1.0 / np.sqrt(D_IN)
    s2 = 1.0 / np.sqrt(D_HID)
    W1 = jax.random.uniform(ks[3], (D_IN, D_HID), jnp.float32, -s1, s1)
    b1 = jnp.zeros((D_HID,), jnp.float32)
    W2 = jax.random.uniform(ks[4], (D_HID, D_HID), jnp.float32, -s2, s2)
    b2 = jnp.zeros((D_HID,), jnp.float32)
    W3 = jax.random.uniform(ks[5], (D_HID, D_HID), jnp.float32, -s2, s2)
    b3 = jax.random.uniform(ks[6], (D_HID,), jnp.float32, -s2, s2)
    W4 = jax.random.uniform(ks[7], (D_HID, D_OUT), jnp.float32, -s2, s2)
    b4 = jax.random.uniform(ks[8], (D_OUT,), jnp.float32, -s2, s2)
    return {"x": x, "edge_index": edge_index, "batch": batch,
            "W1": W1, "b1": b1, "W2": W2, "b2": b2,
            "W3": W3, "b3": b3, "W4": W4, "b4": b4}


def _gcn_conv(h, edge_index, W, b, num_nodes):
    # PyG GCNConv: linear transform, add self-loops, symmetric normalization,
    # scatter-add aggregation at destination nodes, then bias.
    loop = jnp.arange(num_nodes, dtype=edge_index.dtype)
    src = jnp.concatenate([edge_index[0], loop])
    dst = jnp.concatenate([edge_index[1], loop])
    ew = jnp.ones(src.shape[0], dtype=h.dtype)
    deg = jax.ops.segment_sum(ew, dst, num_segments=num_nodes)
    dinv = jnp.where(deg > 0, jax.lax.rsqrt(jnp.maximum(deg, 1e-12)), 0.0)
    norm = dinv[src] * dinv[dst]
    ht = h @ W
    msg = jnp.take(ht, src, axis=0) * norm[:, None]
    out = jax.ops.segment_sum(msg, dst, num_segments=num_nodes)
    return out + b


def _global_mean_pool(h, batch, num_graphs):
    sums = jax.ops.segment_sum(h, batch, num_segments=num_graphs)
    cnt = jax.ops.segment_sum(jnp.ones((h.shape[0],), h.dtype), batch, num_segments=num_graphs)
    return sums / jnp.clip(cnt, 1.0)[:, None]


def reference(x, edge_index, batch, W1, b1, W2, b2, W3, b3, W4, b4):
    N = x.shape[0]
    h = jax.nn.relu(_gcn_conv(x, edge_index, W1, b1, N))
    h = jax.nn.relu(_gcn_conv(h, edge_index, W2, b2, N))
    pooled = _global_mean_pool(h, batch, N_GRAPHS)
    z = jax.nn.relu(pooled @ W3 + b3)
    return z @ W4 + b4

if __name__ == "__main__":
    import jax
    _d = setup_inputs()
    print(jax.jit(kernel)(*tuple(_d.values())))

</pallas_src>

<mosaic_0001>
#map = affine_map<(d0, d1) -> (0, 0, 0)>
#map1 = affine_map<(d0, d1) -> (0, 0)>
module attributes {stable_mosaic.version = 14 : i64} {
  func.func @_deg_pass(%arg0: i32, %arg1: i32, %arg2: memref<32x80x128xi32, #tpu.memory_space<hbm>>, %arg3: memref<128x128xf32, #tpu.memory_space<hbm>>, %arg4: memref<640x128xf32, #tpu.memory_space<hbm>>, %arg5: memref<2x10240x128xf32, #tpu.memory_space<hbm>>, %arg6: memref<80x128xi32, #tpu.memory_space<vmem>>, %arg7: memref<128x128xf32, #tpu.memory_space<vmem>>, %arg8: memref<10240x128xf32, #tpu.memory_space<vmem_shared>>) attributes {dimension_semantics = [#tpu.dimension_semantics<core_parallel>, #tpu.dimension_semantics<subcore_parallel>], iteration_bounds = array<i64: 2, 16>, scalar_prefetch = 0 : i64, scratch_operands = 3 : i64, tpu.core_type = #tpu.core_type<sc_vector_subcore>, window_params = [{transform_indices = #map}, {transform_indices = #map1}, {transform_indices = #map1}, {transform_indices = #map}]} {
    %mul3A = arith.constant 16 : i32
    %mul3A_0 = arith.muli %arg0, %mul3A : i32
    %add3A = arith.addi %mul3A_0, %arg1 : i32
    %mul3A_1 = arith.constant 640 : i32
    %mul3A_2 = arith.muli %arg1, %mul3A_1 : i32
    "tpu.region"() ({
      %run_scoped3A = tpu.sem_alloc : memref<!tpu.dma_semaphore, #tpu.memory_space<semaphore_mem>>
      %dma_start3A = arith.constant 0 : i32
      %dma_start3A_13 = tpu.memref_slice %arg8[%mul3A_2, %dma_start3A] : memref<10240x128xf32, #tpu.memory_space<vmem_shared>> -> memref<640x128xf32, #tpu.memory_space<vmem_shared>>
      tpu.enqueue_dma source(%arg4 : memref<640x128xf32, #tpu.memory_space<hbm>>) target(%dma_start3A_13 : memref<640x128xf32, #tpu.memory_space<vmem_shared>>) target_semaphore(%run_scoped3A : memref<!tpu.dma_semaphore, #tpu.memory_space<semaphore_mem>>)
      %dma_wait3A = arith.constant 0 : i32
      %dma_wait3A_14 = tpu.memref_slice %arg8[%mul3A_2, %dma_wait3A] : memref<10240x128xf32, #tpu.memory_space<vmem_shared>> -> memref<640x128xf32, #tpu.memory_space<vmem_shared>>
      tpu.wait_dma2 semaphore(%run_scoped3A : memref<!tpu.dma_semaphore, #tpu.memory_space<semaphore_mem>>) src(%arg4 : memref<640x128xf32, #tpu.memory_space<hbm>>) dst(%dma_wait3A_14 : memref<640x128xf32, #tpu.memory_space<vmem_shared>>)
      tpu.yield
    }) : () -> ()
    "tpu.region"() ({
      %run_scoped3A = tpu.sem_alloc : memref<!tpu.dma_semaphore, #tpu.memory_space<semaphore_mem>>
      %dma_start3A = arith.constant 0 : i32
      %dma_start3A_13 = arith.constant 0 : i32
      %dma_start3A_14 = tpu.memref_slice %arg2[%add3A, %dma_start3A, %dma_start3A_13] : memref<32x80x128xi32, #tpu.memory_space<hbm>> -> memref<1x80x128xi32, #tpu.memory_space<hbm>>
      %dma_start3A_15 = tpu.memref_squeeze %dma_start3A_14 : memref<1x80x128xi32, #tpu.memory_space<hbm>> -> memref<80x128xi32, #tpu.memory_space<hbm>>
      %dma_start3A_16 = arith.constant 0 : i32
      %dma_start3A_17 = arith.constant 0 : i32
      %dma_start3A_18 = tpu.memref_slice %arg2[%add3A, %dma_start3A_16, %dma_start3A_17] : memref<32x80x128xi32, #tpu.memory_space<hbm>> -> memref<1x80x128xi32, #tpu.memory_space<hbm>>
      %dma_start3A_19 = tpu.memref_squeeze %dma_start3A_18 : memref<1x80x128xi32, #tpu.memory_space<hbm>> -> memref<80x128xi32, #tpu.memory_space<hbm>>
      tpu.enqueue_dma source(%dma_start3A_19 : memref<80x128xi32, #tpu.memory_space<hbm>>) target(%arg6 : memref<80x128xi32, #tpu.memory_space<vmem>>) target_semaphore(%run_scoped3A : memref<!tpu.dma_semaphore, #tpu.memory_space<semaphore_mem>>)
      %dma_wait3A = arith.constant 0 : i32
      %dma_wait3A_20 = arith.constant 0 : i32
      %dma_wait3A_21 = tpu.memref_slice %arg2[%add3A, %dma_wait3A, %dma_wait3A_20] : memref<32x80x128xi32, #tpu.memory_space<hbm>> -> memref<1x80x128xi32, #tpu.memory_space<hbm>>
      %dma_wait3A_22 = tpu.memref_squeeze %dma_wait3A_21 : memref<1x80x128xi32, #tpu.memory_space<hbm>> -> memref<80x128xi32, #tpu.memory_space<hbm>>
      %dma_wait3A_23 = arith.constant 0 : i32
      %dma_wait3A_24 = arith.constant 0 : i32
      %dma_wait3A_25 = tpu.memref_slice %arg2[%add3A, %dma_wait3A_23, %dma_wait3A_24] : memref<32x80x128xi32, #tpu.memory_space<hbm>> -> memref<1x80x128xi32, #tpu.memory_space<hbm>>
      %dma_wait3A_26 = tpu.memref_squeeze %dma_wait3A_25 : memref<1x80x128xi32, #tpu.memory_space<hbm>> -> memref<80x128xi32, #tpu.memory_space<hbm>>
      tpu.wait_dma2 semaphore(%run_scoped3A : memref<!tpu.dma_semaphore, #tpu.memory_space<semaphore_mem>>) src(%dma_wait3A_26 : memref<80x128xi32, #tpu.memory_space<hbm>>) dst(%arg6 : memref<80x128xi32, #tpu.memory_space<vmem>>)
      tpu.yield
    }) : () -> ()
    "tpu.region"() ({
      %run_scoped3A = tpu.sem_alloc : memref<!tpu.dma_semaphore, #tpu.memory_space<semaphore_mem>>
      tpu.enqueue_dma source(%arg3 : memref<128x128xf32, #tpu.memory_space<hbm>>) target(%arg7 : memref<128x128xf32, #tpu.memory_space<vmem>>) target_semaphore(%run_scoped3A : memref<!tpu.dma_semaphore, #tpu.memory_space<semaphore_mem>>)
      tpu.wait_dma2 semaphore(%run_scoped3A : memref<!tpu.dma_semaphore, #tpu.memory_space<semaphore_mem>>) src(%arg3 : memref<128x128xf32, #tpu.memory_space<hbm>>) dst(%arg7 : memref<128x128xf32, #tpu.memory_space<vmem>>)
      tpu.yield
    }) : () -> ()
    %barrier3A = arith.constant 0 : index
    tpu.barrier barrier_id(%barrier3A)
    %scan3A = arith.constant 0 : i32
    %scan3A_3 = arith.constant 0 : i32
    %scan3A_4 = arith.constant 80 : i32
    %scan3A_5 = arith.addi %scan3A_3, %scan3A_4 : i32
    %scan3A_6 = arith.constant 1 : i32
    scf.for %scan3A_13 = %scan3A_3 to %scan3A_5 step %scan3A_6  : i32 {
      "tpu.region"() ({
        %run_scoped3A = tpu.sem_alloc : memref<!tpu.dma_semaphore, #tpu.memory_space<semaphore_mem>>
        %dma_start3A = arith.constant 0 : i32
        %dma_start3A_14 = tpu.memref_slice %arg6[%scan3A_13, %dma_start3A] : memref<80x128xi32, #tpu.memory_space<vmem>> -> memref<1x128xi32, #tpu.memory_space<vmem>>
        %dma_start3A_15 = tpu.memref_squeeze %dma_start3A_14 : memref<1x128xi32, #tpu.memory_space<vmem>> -> memref<128xi32, #tpu.memory_space<vmem>>
        %dma_start3A_16 = arith.constant 0 : i32
        %dma_start3A_17 = arith.constant 0 : i32
        %dma_start3A_18 = tpu.memref_slice %arg8[%dma_start3A_16, %dma_start3A_17] : memref<10240x128xf32, #tpu.memory_space<vmem_shared>> -> memref<10240x128xf32, #tpu.memory_space<vmem_shared>>
        tpu.enqueue_indirect_dma source(%arg7 : memref<128x128xf32, #tpu.memory_space<vmem>>) target(%dma_start3A_18 : memref<10240x128xf32, #tpu.memory_space<vmem_shared>>) offsets(%dma_start3A_15 : memref<128xi32, #tpu.memory_space<vmem>>) semaphore(%run_scoped3A : memref<!tpu.dma_semaphore, #tpu.memory_space<semaphore_mem>>) {add = true}
        %dma_wait3A = arith.constant 0 : i32
        %dma_wait3A_19 = tpu.memref_slice %arg6[%scan3A_13, %dma_wait3A] : memref<80x128xi32, #tpu.memory_space<vmem>> -> memref<1x128xi32, #tpu.memory_space<vmem>>
        %dma_wait3A_20 = tpu.memref_squeeze %dma_wait3A_19 : memref<1x128xi32, #tpu.memory_space<vmem>> -> memref<128xi32, #tpu.memory_space<vmem>>
        %dma_wait3A_21 = arith.constant 0 : i32
        %dma_wait3A_22 = arith.constant 0 : i32
        %dma_wait3A_23 = tpu.memref_slice %arg8[%dma_wait3A_21, %dma_wait3A_22] : memref<10240x128xf32, #tpu.memory_space<vmem_shared>> -> memref<10240x128xf32, #tpu.memory_space<vmem_shared>>
        tpu.wait_indirect_dma semaphore(%run_scoped3A : memref<!tpu.dma_semaphore, #tpu.memory_space<semaphore_mem>>) src(%arg7 : memref<128x128xf32, #tpu.memory_space<vmem>>) dst(%dma_wait3A_23 : memref<10240x128xf32, #tpu.memory_space<vmem_shared>>)
        tpu.yield
      }) : () -> ()
    }
    %scan3A_7 = arith.constant 80 : i32
    %barrier3A_8 = arith.constant 0 : index
    tpu.barrier barrier_id(%barrier3A_8)
    %mul3A_9 = arith.constant 640 : i32
    %mul3A_10 = arith.muli %arg1, %mul3A_9 : i32
    %mul3A_11 = arith.constant 640 : i32
    %mul3A_12 = arith.muli %arg1, %mul3A_11 : i32
    "tpu.region"() ({
      %run_scoped3A = tpu.sem_alloc : memref<!tpu.dma_semaphore, #tpu.memory_space<semaphore_mem>>
      %dma_start3A = arith.constant 0 : i32
      %dma_start3A_13 = tpu.memref_slice %arg5[%arg0, %mul3A_12, %dma_start3A] : memref<2x10240x128xf32, #tpu.memory_space<hbm>> -> memref<1x640x128xf32, #tpu.memory_space<hbm>>
      %dma_start3A_14 = tpu.memref_squeeze %dma_start3A_13 : memref<1x640x128xf32, #tpu.memory_space<hbm>> -> memref<640x128xf32, #tpu.memory_space<hbm>>
      %dma_start3A_15 = arith.constant 0 : i32
      %dma_start3A_16 = tpu.memref_slice %arg8[%mul3A_10, %dma_start3A_15] : memref<10240x128xf32, #tpu.memory_space<vmem_shared>> -> memref<640x128xf32, #tpu.memory_space<vmem_shared>>
      tpu.enqueue_dma source(%dma_start3A_16 : memref<640x128xf32, #tpu.memory_space<vmem_shared>>) target(%dma_start3A_14 : memref<640x128xf32, #tpu.memory_space<hbm>>) target_semaphore(%run_scoped3A : memref<!tpu.dma_semaphore, #tpu.memory_space<semaphore_mem>>)
      %dma_wait3A = arith.constant 0 : i32
      %dma_wait3A_17 = tpu.memref_slice %arg5[%arg0, %mul3A_12, %dma_wait3A] : memref<2x10240x128xf32, #tpu.memory_space<hbm>> -> memref<1x640x128xf32, #tpu.memory_space<hbm>>
      %dma_wait3A_18 = tpu.memref_squeeze %dma_wait3A_17 : memref<1x640x128xf32, #tpu.memory_space<hbm>> -> memref<640x128xf32, #tpu.memory_space<hbm>>
      %dma_wait3A_19 = arith.constant 0 : i32
      %dma_wait3A_20 = tpu.memref_slice %arg8[%mul3A_10, %dma_wait3A_19] : memref<10240x128xf32, #tpu.memory_space<vmem_shared>> -> memref<640x128xf32, #tpu.memory_space<vmem_shared>>
      tpu.wait_dma2 semaphore(%run_scoped3A : memref<!tpu.dma_semaphore, #tpu.memory_space<semaphore_mem>>) src(%dma_wait3A_20 : memref<640x128xf32, #tpu.memory_space<vmem_shared>>) dst(%dma_wait3A_18 : memref<640x128xf32, #tpu.memory_space<hbm>>)
      tpu.yield
    }) : () -> ()
    return
  }
}

#map = affine_map<(d0, d1) -> (0, 0)>
#map1 = affine_map<(d0, d1) -> (0, 0, 0)>
module attributes {stable_mosaic.version = 14 : i64} {
  func.func @_edge_pass(%arg0: i32, %arg1: i32, %arg2: memref<10240x128xf32, #tpu.memory_space<hbm>>, %arg3: memref<32x80x128xi32, #tpu.memory_space<hbm>>, %arg4: memref<32x80x128xi32, #tpu.memory_space<hbm>>, %arg5: memref<640x128xf32, #tpu.memory_space<hbm>>, %arg6: memref<2x10240x128xf32, #tpu.memory_space<hbm>>, %arg7: memref<40x128xi32, #tpu.memory_space<vmem>>, %arg8: memref<40x128xi32, #tpu.memory_space<vmem>>, %arg9: memref<128x128xf32, #tpu.memory_space<vmem>>, %arg10: memref<128x128xf32, #tpu.memory_space<vmem>>, %arg11: memref<10240x128xf32, #tpu.memory_space<vmem_shared>>, %arg12: memref<!tpu.dma_semaphore, #tpu.memory_space<semaphore_mem>>, %arg13: memref<!tpu.dma_semaphore, #tpu.memory_space<semaphore_mem>>) attributes {dimension_semantics = [#tpu.dimension_semantics<core_parallel>, #tpu.dimension_semantics<subcore_parallel>], iteration_bounds = array<i64: 2, 16>, scalar_prefetch = 0 : i64, scratch_operands = 7 : i64, tpu.core_type = #tpu.core_type<sc_vector_subcore>, window_params = [{transform_indices = #map}, {transform_indices = #map1}, {transform_indices = #map1}, {transform_indices = #map}, {transform_indices = #map1}]} {
    %mul3A = arith.constant 16 : i32
    %mul3A_0 = arith.muli %arg0, %mul3A : i32
    %add3A = arith.addi %mul3A_0, %arg1 : i32
    %mul3A_1 = arith.constant 640 : i32
    %mul3A_2 = arith.muli %arg1, %mul3A_1 : i32
    "tpu.region"() ({
      %run_scoped3A = tpu.sem_alloc : memref<!tpu.dma_semaphore, #tpu.memory_space<semaphore_mem>>
      %dma_start3A_46 = arith.constant 0 : i32
      %dma_start3A_47 = tpu.memref_slice %arg11[%mul3A_2, %dma_start3A_46] : memref<10240x128xf32, #tpu.memory_space<vmem_shared>> -> memref<640x128xf32, #tpu.memory_space<vmem_shared>>
      tpu.enqueue_dma source(%arg5 : memref<640x128xf32, #tpu.memory_space<hbm>>) target(%dma_start3A_47 : memref<640x128xf32, #tpu.memory_space<vmem_shared>>) target_semaphore(%run_scoped3A : memref<!tpu.dma_semaphore, #tpu.memory_space<semaphore_mem>>)
      %dma_wait3A = arith.constant 0 : i32
      %dma_wait3A_48 = tpu.memref_slice %arg11[%mul3A_2, %dma_wait3A] : memref<10240x128xf32, #tpu.memory_space<vmem_shared>> -> memref<640x128xf32, #tpu.memory_space<vmem_shared>>
      tpu.wait_dma2 semaphore(%run_scoped3A : memref<!tpu.dma_semaphore, #tpu.memory_space<semaphore_mem>>) src(%arg5 : memref<640x128xf32, #tpu.memory_space<hbm>>) dst(%dma_wait3A_48 : memref<640x128xf32, #tpu.memory_space<vmem_shared>>)
      tpu.yield
    }) : () -> ()
    %barrier3A = arith.constant 0 : index
    tpu.barrier barrier_id(%barrier3A)
    "tpu.region"() ({
      %run_scoped3A = tpu.sem_alloc : memref<!tpu.dma_semaphore, #tpu.memory_space<semaphore_mem>>
      %dma_start3A_46 = arith.constant 0 : i32
      %dma_start3A_47 = arith.constant 0 : i32
      %dma_start3A_48 = tpu.memref_slice %arg3[%add3A, %dma_start3A_46, %dma_start3A_47] : memref<32x80x128xi32, #tpu.memory_space<hbm>> -> memref<1x40x128xi32, #tpu.memory_space<hbm>>
      %dma_start3A_49 = tpu.memref_squeeze %dma_start3A_48 : memref<1x40x128xi32, #tpu.memory_space<hbm>> -> memref<40x128xi32, #tpu.memory_space<hbm>>
      %dma_start3A_50 = arith.constant 0 : i32
      %dma_start3A_51 = arith.constant 0 : i32
      %dma_start3A_52 = tpu.memref_slice %arg3[%add3A, %dma_start3A_50, %dma_start3A_51] : memref<32x80x128xi32, #tpu.memory_space<hbm>> -> memref<1x40x128xi32, #tpu.memory_space<hbm>>
      %dma_start3A_53 = tpu.memref_squeeze %dma_start3A_52 : memref<1x40x128xi32, #tpu.memory_space<hbm>> -> memref<40x128xi32, #tpu.memory_space<hbm>>
      tpu.enqueue_dma source(%dma_start3A_53 : memref<40x128xi32, #tpu.memory_space<hbm>>) target(%arg7 : memref<40x128xi32, #tpu.memory_space<vmem>>) target_semaphore(%run_scoped3A : memref<!tpu.dma_semaphore, #tpu.memory_space<semaphore_mem>>)
      %dma_wait3A = arith.constant 0 : i32
      %dma_wait3A_54 = arith.constant 0 : i32
      %dma_wait3A_55 = tpu.memref_slice %arg3[%add3A, %dma_wait3A, %dma_wait3A_54] : memref<32x80x128xi32, #tpu.memory_space<hbm>> -> memref<1x40x128xi32, #tpu.memory_space<hbm>>
      %dma_wait3A_56 = tpu.memref_squeeze %dma_wait3A_55 : memref<1x40x128xi32, #tpu.memory_space<hbm>> -> memref<40x128xi32, #tpu.memory_space<hbm>>
      %dma_wait3A_57 = arith.constant 0 : i32
      %dma_wait3A_58 = arith.constant 0 : i32
      %dma_wait3A_59 = tpu.memref_slice %arg3[%add3A, %dma_wait3A_57, %dma_wait3A_58] : memref<32x80x128xi32, #tpu.memory_space<hbm>> -> memref<1x40x128xi32, #tpu.memory_space<hbm>>
      %dma_wait3A_60 = tpu.memref_squeeze %dma_wait3A_59 : memref<1x40x128xi32, #tpu.memory_space<hbm>> -> memref<40x128xi32, #tpu.memory_space<hbm>>
      tpu.wait_dma2 semaphore(%run_scoped3A : memref<!tpu.dma_semaphore, #tpu.memory_space<semaphore_mem>>) src(%dma_wait3A_60 : memref<40x128xi32, #tpu.memory_space<hbm>>) dst(%arg7 : memref<40x128xi32, #tpu.memory_space<vmem>>)
      tpu.yield
    }) : () -> ()
    "tpu.region"() ({
      %run_scoped3A = tpu.sem_alloc : memref<!tpu.dma_semaphore, #tpu.memory_space<semaphore_mem>>
      %dma_start3A_46 = arith.constant 0 : i32
      %dma_start3A_47 = arith.constant 0 : i32
      %dma_start3A_48 = tpu.memref_slice %arg4[%add3A, %dma_start3A_46, %dma_start3A_47] : memref<32x80x128xi32, #tpu.memory_space<hbm>> -> memref<1x40x128xi32, #tpu.memory_space<hbm>>
      %dma_start3A_49 = tpu.memref_squeeze %dma_start3A_48 : memref<1x40x128xi32, #tpu.memory_space<hbm>> -> memref<40x128xi32, #tpu.memory_space<hbm>>
      %dma_start3A_50 = arith.constant 0 : i32
      %dma_start3A_51 = arith.constant 0 : i32
      %dma_start3A_52 = tpu.memref_slice %arg4[%add3A, %dma_start3A_50, %dma_start3A_51] : memref<32x80x128xi32, #tpu.memory_space<hbm>> -> memref<1x40x128xi32, #tpu.memory_space<hbm>>
      %dma_start3A_53 = tpu.memref_squeeze %dma_start3A_52 : memref<1x40x128xi32, #tpu.memory_space<hbm>> -> memref<40x128xi32, #tpu.memory_space<hbm>>
      tpu.enqueue_dma source(%dma_start3A_53 : memref<40x128xi32, #tpu.memory_space<hbm>>) target(%arg8 : memref<40x128xi32, #tpu.memory_space<vmem>>) target_semaphore(%run_scoped3A : memref<!tpu.dma_semaphore, #tpu.memory_space<semaphore_mem>>)
      %dma_wait3A = arith.constant 0 : i32
      %dma_wait3A_54 = arith.constant 0 : i32
      %dma_wait3A_55 = tpu.memref_slice %arg4[%add3A, %dma_wait3A, %dma_wait3A_54] : memref<32x80x128xi32, #tpu.memory_space<hbm>> -> memref<1x40x128xi32, #tpu.memory_space<hbm>>
      %dma_wait3A_56 = tpu.memref_squeeze %dma_wait3A_55 : memref<1x40x128xi32, #tpu.memory_space<hbm>> -> memref<40x128xi32, #tpu.memory_space<hbm>>
      %dma_wait3A_57 = arith.constant 0 : i32
      %dma_wait3A_58 = arith.constant 0 : i32
      %dma_wait3A_59 = tpu.memref_slice %arg4[%add3A, %dma_wait3A_57, %dma_wait3A_58] : memref<32x80x128xi32, #tpu.memory_space<hbm>> -> memref<1x40x128xi32, #tpu.memory_space<hbm>>
      %dma_wait3A_60 = tpu.memref_squeeze %dma_wait3A_59 : memref<1x40x128xi32, #tpu.memory_space<hbm>> -> memref<40x128xi32, #tpu.memory_space<hbm>>
      tpu.wait_dma2 semaphore(%run_scoped3A : memref<!tpu.dma_semaphore, #tpu.memory_space<semaphore_mem>>) src(%dma_wait3A_60 : memref<40x128xi32, #tpu.memory_space<hbm>>) dst(%arg8 : memref<40x128xi32, #tpu.memory_space<vmem>>)
      tpu.yield
    }) : () -> ()
    %dma_start3A = arith.constant 0 : i32
    %dma_start3A_3 = arith.constant 0 : i32
    %dma_start3A_4 = tpu.memref_slice %arg7[%dma_start3A, %dma_start3A_3] : memref<40x128xi32, #tpu.memory_space<vmem>> -> memref<1x128xi32, #tpu.memory_space<vmem>>
    %dma_start3A_5 = tpu.memref_squeeze %dma_start3A_4 : memref<1x128xi32, #tpu.memory_space<vmem>> -> memref<128xi32, #tpu.memory_space<vmem>>
    %dma_start3A_6 = arith.constant 0 : i32
    %dma_start3A_7 = arith.constant 0 : i32
    %dma_start3A_8 = tpu.memref_slice %arg2[%dma_start3A_6, %dma_start3A_7] : memref<10240x128xf32, #tpu.memory_space<hbm>> -> memref<10240x128xf32, #tpu.memory_space<hbm>>
    tpu.enqueue_indirect_dma source(%dma_start3A_8 : memref<10240x128xf32, #tpu.memory_space<hbm>>) target(%arg9 : memref<128x128xf32, #tpu.memory_space<vmem>>) offsets(%dma_start3A_5 : memref<128xi32, #tpu.memory_space<vmem>>) semaphore(%arg12 : memref<!tpu.dma_semaphore, #tpu.memory_space<semaphore_mem>>)
    %dma_start3A_9 = arith.constant 1 : i32
    %dma_start3A_10 = arith.constant 0 : i32
    %dma_start3A_11 = tpu.memref_slice %arg7[%dma_start3A_9, %dma_start3A_10] : memref<40x128xi32, #tpu.memory_space<vmem>> -> memref<1x128xi32, #tpu.memory_space<vmem>>
    %dma_start3A_12 = tpu.memref_squeeze %dma_start3A_11 : memref<1x128xi32, #tpu.memory_space<vmem>> -> memref<128xi32, #tpu.memory_space<vmem>>
    %dma_start3A_13 = arith.constant 0 : i32
    %dma_start3A_14 = arith.constant 0 : i32
    %dma_start3A_15 = tpu.memref_slice %arg2[%dma_start3A_13, %dma_start3A_14] : memref<10240x128xf32, #tpu.memory_space<hbm>> -> memref<10240x128xf32, #tpu.memory_space<hbm>>
    tpu.enqueue_indirect_dma source(%dma_start3A_15 : memref<10240x128xf32, #tpu.memory_space<hbm>>) target(%arg10 : memref<128x128xf32, #tpu.memory_space<vmem>>) offsets(%dma_start3A_12 : memref<128xi32, #tpu.memory_space<vmem>>) semaphore(%arg13 : memref<!tpu.dma_semaphore, #tpu.memory_space<semaphore_mem>>)
    %scan3A = arith.constant 0 : i32
    %scan3A_16 = arith.constant 0 : i32
    %scan3A_17 = arith.constant 20 : i32
    %scan3A_18 = arith.addi %scan3A_16, %scan3A_17 : i32
    %scan3A_19 = arith.constant 1 : i32
    scf.for %scan3A_46 = %scan3A_16 to %scan3A_18 step %scan3A_19  : i32 {
      %mul3A_47 = arith.constant 2 : i32
      %mul3A_48 = arith.muli %mul3A_47, %scan3A_46 : i32
      %dma_wait3A = arith.constant 0 : i32
      %dma_wait3A_49 = tpu.memref_slice %arg7[%mul3A_48, %dma_wait3A] : memref<40x128xi32, #tpu.memory_space<vmem>> -> memref<1x128xi32, #tpu.memory_space<vmem>>
      %dma_wait3A_50 = tpu.memref_squeeze %dma_wait3A_49 : memref<1x128xi32, #tpu.memory_space<vmem>> -> memref<128xi32, #tpu.memory_space<vmem>>
      %dma_wait3A_51 = arith.constant 0 : i32
      %dma_wait3A_52 = arith.constant 0 : i32
      %dma_wait3A_53 = tpu.memref_slice %arg2[%dma_wait3A_51, %dma_wait3A_52] : memref<10240x128xf32, #tpu.memory_space<hbm>> -> memref<10240x128xf32, #tpu.memory_space<hbm>>
      tpu.wait_indirect_dma semaphore(%arg12 : memref<!tpu.dma_semaphore, #tpu.memory_space<semaphore_mem>>) src(%dma_wait3A_53 : memref<10240x128xf32, #tpu.memory_space<hbm>>) dst(%arg9 : memref<128x128xf32, #tpu.memory_space<vmem>>)
      "tpu.region"() ({
        %run_scoped3A = tpu.sem_alloc : memref<!tpu.dma_semaphore, #tpu.memory_space<semaphore_mem>>
        %dma_start3A_75 = arith.constant 0 : i32
        %dma_start3A_76 = tpu.memref_slice %arg8[%mul3A_48, %dma_start3A_75] : memref<40x128xi32, #tpu.memory_space<vmem>> -> memref<1x128xi32, #tpu.memory_space<vmem>>
        %dma_start3A_77 = tpu.memref_squeeze %dma_start3A_76 : memref<1x128xi32, #tpu.memory_space<vmem>> -> memref<128xi32, #tpu.memory_space<vmem>>
        %dma_start3A_78 = arith.constant 0 : i32
        %dma_start3A_79 = arith.constant 0 : i32
        %dma_start3A_80 = tpu.memref_slice %arg11[%dma_start3A_78, %dma_start3A_79] : memref<10240x128xf32, #tpu.memory_space<vmem_shared>> -> memref<10240x128xf32, #tpu.memory_space<vmem_shared>>
        tpu.enqueue_indirect_dma source(%arg9 : memref<128x128xf32, #tpu.memory_space<vmem>>) target(%dma_start3A_80 : memref<10240x128xf32, #tpu.memory_space<vmem_shared>>) offsets(%dma_start3A_77 : memref<128xi32, #tpu.memory_space<vmem>>) semaphore(%run_scoped3A : memref<!tpu.dma_semaphore, #tpu.memory_space<semaphore_mem>>) {add = true}
        %dma_wait3A_81 = arith.constant 0 : i32
        %dma_wait3A_82 = tpu.memref_slice %arg8[%mul3A_48, %dma_wait3A_81] : memref<40x128xi32, #tpu.memory_space<vmem>> -> memref<1x128xi32, #tpu.memory_space<vmem>>
        %dma_wait3A_83 = tpu.memref_squeeze %dma_wait3A_82 : memref<1x128xi32, #tpu.memory_space<vmem>> -> memref<128xi32, #tpu.memory_space<vmem>>
        %dma_wait3A_84 = arith.constant 0 : i32
        %dma_wait3A_85 = arith.constant 0 : i32
        %dma_wait3A_86 = tpu.memref_slice %arg11[%dma_wait3A_84, %dma_wait3A_85] : memref<10240x128xf32, #tpu.memory_space<vmem_shared>> -> memref<10240x128xf32, #tpu.memory_space<vmem_shared>>
        tpu.wait_indirect_dma semaphore(%run_scoped3A : memref<!tpu.dma_semaphore, #tpu.memory_space<semaphore_mem>>) src(%arg9 : memref<128x128xf32, #tpu.memory_space<vmem>>) dst(%dma_wait3A_86 : memref<10240x128xf32, #tpu.memory_space<vmem_shared>>)
        tpu.yield
      }) : () -> ()
      %add3A_54 = arith.constant 2 : i32
      %add3A_55 = arith.addi %mul3A_48, %add3A_54 : i32
      %lt3A = arith.constant 40 : i32
      %lt3A_56 = arith.cmpi slt, %add3A_55, %lt3A : i32
      %convert_element_type3A = arith.extui %lt3A_56 : i1 to i32
      %cond3A = arith.constant 0 : i32
      %cond3A_57 = arith.cmpi ne, %convert_element_type3A, %cond3A : i32
      scf.if %cond3A_57 {
        %add3A_75 = arith.constant 2 : i32
        %add3A_76 = arith.addi %mul3A_48, %add3A_75 : i32
        %dma_start3A_77 = arith.constant 0 : i32
        %dma_start3A_78 = tpu.memref_slice %arg7[%add3A_76, %dma_start3A_77] : memref<40x128xi32, #tpu.memory_space<vmem>> -> memref<1x128xi32, #tpu.memory_space<vmem>>
        %dma_start3A_79 = tpu.memref_squeeze %dma_start3A_78 : memref<1x128xi32, #tpu.memory_space<vmem>> -> memref<128xi32, #tpu.memory_space<vmem>>
        %dma_start3A_80 = arith.constant 0 : i32
        %dma_start3A_81 = arith.constant 0 : i32
        %dma_start3A_82 = tpu.memref_slice %arg2[%dma_start3A_80, %dma_start3A_81] : memref<10240x128xf32, #tpu.memory_space<hbm>> -> memref<10240x128xf32, #tpu.memory_space<hbm>>
        tpu.enqueue_indirect_dma source(%dma_start3A_82 : memref<10240x128xf32, #tpu.memory_space<hbm>>) target(%arg9 : memref<128x128xf32, #tpu.memory_space<vmem>>) offsets(%dma_start3A_79 : memref<128xi32, #tpu.memory_space<vmem>>) semaphore(%arg12 : memref<!tpu.dma_semaphore, #tpu.memory_space<semaphore_mem>>)
      } else {
      }
      %add3A_58 = arith.constant 1 : i32
      %add3A_59 = arith.addi %mul3A_48, %add3A_58 : i32
      %dma_wait3A_60 = arith.constant 0 : i32
      %dma_wait3A_61 = tpu.memref_slice %arg7[%add3A_59, %dma_wait3A_60] : memref<40x128xi32, #tpu.memory_space<vmem>> -> memref<1x128xi32, #tpu.memory_space<vmem>>
      %dma_wait3A_62 = tpu.memref_squeeze %dma_wait3A_61 : memref<1x128xi32, #tpu.memory_space<vmem>> -> memref<128xi32, #tpu.memory_space<vmem>>
      %dma_wait3A_63 = arith.constant 0 : i32
      %dma_wait3A_64 = arith.constant 0 : i32
      %dma_wait3A_65 = tpu.memref_slice %arg2[%dma_wait3A_63, %dma_wait3A_64] : memref<10240x128xf32, #tpu.memory_space<hbm>> -> memref<10240x128xf32, #tpu.memory_space<hbm>>
      tpu.wait_indirect_dma semaphore(%arg13 : memref<!tpu.dma_semaphore, #tpu.memory_space<semaphore_mem>>) src(%dma_wait3A_65 : memref<10240x128xf32, #tpu.memory_space<hbm>>) dst(%arg10 : memref<128x128xf32, #tpu.memory_space<vmem>>)
      %add3A_66 = arith.constant 1 : i32
      %add3A_67 = arith.addi %mul3A_48, %add3A_66 : i32
      "tpu.region"() ({
        %run_scoped3A = tpu.sem_alloc : memref<!tpu.dma_semaphore, #tpu.memory_space<semaphore_mem>>
        %dma_start3A_75 = arith.constant 0 : i32
        %dma_start3A_76 = tpu.memref_slice %arg8[%add3A_67, %dma_start3A_75] : memref<40x128xi32, #tpu.memory_space<vmem>> -> memref<1x128xi32, #tpu.memory_space<vmem>>
        %dma_start3A_77 = tpu.memref_squeeze %dma_start3A_76 : memref<1x128xi32, #tpu.memory_space<vmem>> -> memref<128xi32, #tpu.memory_space<vmem>>
        %dma_start3A_78 = arith.constant 0 : i32
        %dma_start3A_79 = arith.constant 0 : i32
        %dma_start3A_80 = tpu.memref_slice %arg11[%dma_start3A_78, %dma_start3A_79] : memref<10240x128xf32, #tpu.memory_space<vmem_shared>> -> memref<10240x128xf32, #tpu.memory_space<vmem_shared>>
        tpu.enqueue_indirect_dma source(%arg10 : memref<128x128xf32, #tpu.memory_space<vmem>>) target(%dma_start3A_80 : memref<10240x128xf32, #tpu.memory_space<vmem_shared>>) offsets(%dma_start3A_77 : memref<128xi32, #tpu.memory_space<vmem>>) semaphore(%run_scoped3A : memref<!tpu.dma_semaphore, #tpu.memory_space<semaphore_mem>>) {add = true}
        %dma_wait3A_81 = arith.constant 0 : i32
        %dma_wait3A_82 = tpu.memref_slice %arg8[%add3A_67, %dma_wait3A_81] : memref<40x128xi32, #tpu.memory_space<vmem>> -> memref<1x128xi32, #tpu.memory_space<vmem>>
        %dma_wait3A_83 = tpu.memref_squeeze %dma_wait3A_82 : memref<1x128xi32, #tpu.memory_space<vmem>> -> memref<128xi32, #tpu.memory_space<vmem>>
        %dma_wait3A_84 = arith.constant 0 : i32
        %dma_wait3A_85 = arith.constant 0 : i32
        %dma_wait3A_86 = tpu.memref_slice %arg11[%dma_wait3A_84, %dma_wait3A_85] : memref<10240x128xf32, #tpu.memory_space<vmem_shared>> -> memref<10240x128xf32, #tpu.memory_space<vmem_shared>>
        tpu.wait_indirect_dma semaphore(%run_scoped3A : memref<!tpu.dma_semaphore, #tpu.memory_space<semaphore_mem>>) src(%arg10 : memref<128x128xf32, #tpu.memory_space<vmem>>) dst(%dma_wait3A_86 : memref<10240x128xf32, #tpu.memory_space<vmem_shared>>)
        tpu.yield
      }) : () -> ()
      %add3A_68 = arith.constant 3 : i32
      %add3A_69 = arith.addi %mul3A_48, %add3A_68 : i32
      %lt3A_70 = arith.constant 40 : i32
      %lt3A_71 = arith.cmpi slt, %add3A_69, %lt3A_70 : i32
      %convert_element_type3A_72 = arith.extui %lt3A_71 : i1 to i32
      %cond3A_73 = arith.constant 0 : i32
      %cond3A_74 = arith.cmpi ne, %convert_element_type3A_72, %cond3A_73 : i32
      scf.if %cond3A_74 {
        %add3A_75 = arith.constant 3 : i32
        %add3A_76 = arith.addi %mul3A_48, %add3A_75 : i32
        %dma_start3A_77 = arith.constant 0 : i32
        %dma_start3A_78 = tpu.memref_slice %arg7[%add3A_76, %dma_start3A_77] : memref<40x128xi32, #tpu.memory_space<vmem>> -> memref<1x128xi32, #tpu.memory_space<vmem>>
        %dma_start3A_79 = tpu.memref_squeeze %dma_start3A_78 : memref<1x128xi32, #tpu.memory_space<vmem>> -> memref<128xi32, #tpu.memory_space<vmem>>
        %dma_start3A_80 = arith.constant 0 : i32
        %dma_start3A_81 = arith.constant 0 : i32
        %dma_start3A_82 = tpu.memref_slice %arg2[%dma_start3A_80, %dma_start3A_81] : memref<10240x128xf32, #tpu.memory_space<hbm>> -> memref<10240x128xf32, #tpu.memory_space<hbm>>
        tpu.enqueue_indirect_dma source(%dma_start3A_82 : memref<10240x128xf32, #tpu.memory_space<hbm>>) target(%arg10 : memref<128x128xf32, #tpu.memory_space<vmem>>) offsets(%dma_start3A_79 : memref<128xi32, #tpu.memory_space<vmem>>) semaphore(%arg13 : memref<!tpu.dma_semaphore, #tpu.memory_space<semaphore_mem>>)
      } else {
      }
    }
    %scan3A_20 = arith.constant 20 : i32
    "tpu.region"() ({
      %run_scoped3A = tpu.sem_alloc : memref<!tpu.dma_semaphore, #tpu.memory_space<semaphore_mem>>
      %dma_start3A_46 = arith.constant 40 : i32
      %dma_start3A_47 = arith.constant 0 : i32
      %dma_start3A_48 = tpu.memref_slice %arg3[%add3A, %dma_start3A_46, %dma_start3A_47] : memref<32x80x128xi32, #tpu.memory_space<hbm>> -> memref<1x40x128xi32, #tpu.memory_space<hbm>>
      %dma_start3A_49 = tpu.memref_squeeze %dma_start3A_48 : memref<1x40x128xi32, #tpu.memory_space<hbm>> -> memref<40x128xi32, #tpu.memory_space<hbm>>
      %dma_start3A_50 = arith.constant 40 : i32
      %dma_start3A_51 = arith.constant 0 : i32
      %dma_start3A_52 = tpu.memref_slice %arg3[%add3A, %dma_start3A_50, %dma_start3A_51] : memref<32x80x128xi32, #tpu.memory_space<hbm>> -> memref<1x40x128xi32, #tpu.memory_space<hbm>>
      %dma_start3A_53 = tpu.memref_squeeze %dma_start3A_52 : memref<1x40x128xi32, #tpu.memory_space<hbm>> -> memref<40x128xi32, #tpu.memory_space<hbm>>
      tpu.enqueue_dma source(%dma_start3A_53 : memref<40x128xi32, #tpu.memory_space<hbm>>) target(%arg7 : memref<40x128xi32, #tpu.memory_space<vmem>>) target_semaphore(%run_scoped3A : memref<!tpu.dma_semaphore, #tpu.memory_space<semaphore_mem>>)
      %dma_wait3A = arith.constant 40 : i32
      %dma_wait3A_54 = arith.constant 0 : i32
      %dma_wait3A_55 = tpu.memref_slice %arg3[%add3A, %dma_wait3A, %dma_wait3A_54] : memref<32x80x128xi32, #tpu.memory_space<hbm>> -> memref<1x40x128xi32, #tpu.memory_space<hbm>>
      %dma_wait3A_56 = tpu.memref_squeeze %dma_wait3A_55 : memref<1x40x128xi32, #tpu.memory_space<hbm>> -> memref<40x128xi32, #tpu.memory_space<hbm>>
      %dma_wait3A_57 = arith.constant 40 : i32
      %dma_wait3A_58 = arith.constant 0 : i32
      %dma_wait3A_59 = tpu.memref_slice %arg3[%add3A, %dma_wait3A_57, %dma_wait3A_58] : memref<32x80x128xi32, #tpu.memory_space<hbm>> -> memref<1x40x128xi32, #tpu.memory_space<hbm>>
      %dma_wait3A_60 = tpu.memref_squeeze %dma_wait3A_59 : memref<1x40x128xi32, #tpu.memory_space<hbm>> -> memref<40x128xi32, #tpu.memory_space<hbm>>
      tpu.wait_dma2 semaphore(%run_scoped3A : memref<!tpu.dma_semaphore, #tpu.memory_space<semaphore_mem>>) src(%dma_wait3A_60 : memref<40x128xi32, #tpu.memory_space<hbm>>) dst(%arg7 : memref<40x128xi32, #tpu.memory_space<vmem>>)
      tpu.yield
    }) : () -> ()
    "tpu.region"() ({
      %run_scoped3A = tpu.sem_alloc : memref<!tpu.dma_semaphore, #tpu.memory_space<semaphore_mem>>
      %dma_start3A_46 = arith.constant 40 : i32
      %dma_start3A_47 = arith.constant 0 : i32
      %dma_start3A_48 = tpu.memref_slice %arg4[%add3A, %dma_start3A_46, %dma_start3A_47] : memref<32x80x128xi32, #tpu.memory_space<hbm>> -> memref<1x40x128xi32, #tpu.memory_space<hbm>>
      %dma_start3A_49 = tpu.memref_squeeze %dma_start3A_48 : memref<1x40x128xi32, #tpu.memory_space<hbm>> -> memref<40x128xi32, #tpu.memory_space<hbm>>
      %dma_start3A_50 = arith.constant 40 : i32
      %dma_start3A_51 = arith.constant 0 : i32
      %dma_start3A_52 = tpu.memref_slice %arg4[%add3A, %dma_start3A_50, %dma_start3A_51] : memref<32x80x128xi32, #tpu.memory_space<hbm>> -> memref<1x40x128xi32, #tpu.memory_space<hbm>>
      %dma_start3A_53 = tpu.memref_squeeze %dma_start3A_52 : memref<1x40x128xi32, #tpu.memory_space<hbm>> -> memref<40x128xi32, #tpu.memory_space<hbm>>
      tpu.enqueue_dma source(%dma_start3A_53 : memref<40x128xi32, #tpu.memory_space<hbm>>) target(%arg8 : memref<40x128xi32, #tpu.memory_space<vmem>>) target_semaphore(%run_scoped3A : memref<!tpu.dma_semaphore, #tpu.memory_space<semaphore_mem>>)
      %dma_wait3A = arith.constant 40 : i32
      %dma_wait3A_54 = arith.constant 0 : i32
      %dma_wait3A_55 = tpu.memref_slice %arg4[%add3A, %dma_wait3A, %dma_wait3A_54] : memref<32x80x128xi32, #tpu.memory_space<hbm>> -> memref<1x40x128xi32, #tpu.memory_space<hbm>>
      %dma_wait3A_56 = tpu.memref_squeeze %dma_wait3A_55 : memref<1x40x128xi32, #tpu.memory_space<hbm>> -> memref<40x128xi32, #tpu.memory_space<hbm>>
      %dma_wait3A_57 = arith.constant 40 : i32
      %dma_wait3A_58 = arith.constant 0 : i32
      %dma_wait3A_59 = tpu.memref_slice %arg4[%add3A, %dma_wait3A_57, %dma_wait3A_58] : memref<32x80x128xi32, #tpu.memory_space<hbm>> -> memref<1x40x128xi32, #tpu.memory_space<hbm>>
      %dma_wait3A_60 = tpu.memref_squeeze %dma_wait3A_59 : memref<1x40x128xi32, #tpu.memory_space<hbm>> -> memref<40x128xi32, #tpu.memory_space<hbm>>
      tpu.wait_dma2 semaphore(%run_scoped3A : memref<!tpu.dma_semaphore, #tpu.memory_space<semaphore_mem>>) src(%dma_wait3A_60 : memref<40x128xi32, #tpu.memory_space<hbm>>) dst(%arg8 : memref<40x128xi32, #tpu.memory_space<vmem>>)
      tpu.yield
    }) : () -> ()
    %dma_start3A_21 = arith.constant 0 : i32
    %dma_start3A_22 = arith.constant 0 : i32
    %dma_start3A_23 = tpu.memref_slice %arg7[%dma_start3A_21, %dma_start3A_22] : memref<40x128xi32, #tpu.memory_space<vmem>> -> memref<1x128xi32, #tpu.memory_space<vmem>>
    %dma_start3A_24 = tpu.memref_squeeze %dma_start3A_23 : memref<1x128xi32, #tpu.memory_space<vmem>> -> memref<128xi32, #tpu.memory_space<vmem>>
    %dma_start3A_25 = arith.constant 0 : i32
    %dma_start3A_26 = arith.constant 0 : i32
    %dma_start3A_27 = tpu.memref_slice %arg2[%dma_start3A_25, %dma_start3A_26] : memref<10240x128xf32, #tpu.memory_space<hbm>> -> memref<10240x128xf32, #tpu.memory_space<hbm>>
    tpu.enqueue_indirect_dma source(%dma_start3A_27 : memref<10240x128xf32, #tpu.memory_space<hbm>>) target(%arg9 : memref<128x128xf32, #tpu.memory_space<vmem>>) offsets(%dma_start3A_24 : memref<128xi32, #tpu.memory_space<vmem>>) semaphore(%arg12 : memref<!tpu.dma_semaphore, #tpu.memory_space<semaphore_mem>>)
    %dma_start3A_28 = arith.constant 1 : i32
    %dma_start3A_29 = arith.constant 0 : i32
    %dma_start3A_30 = tpu.memref_slice %arg7[%dma_start3A_28, %dma_start3A_29] : memref<40x128xi32, #tpu.memory_space<vmem>> -> memref<1x128xi32, #tpu.memory_space<vmem>>
    %dma_start3A_31 = tpu.memref_squeeze %dma_start3A_30 : memref<1x128xi32, #tpu.memory_space<vmem>> -> memref<128xi32, #tpu.memory_space<vmem>>
    %dma_start3A_32 = arith.constant 0 : i32
    %dma_start3A_33 = arith.constant 0 : i32
    %dma_start3A_34 = tpu.memref_slice %arg2[%dma_start3A_32, %dma_start3A_33] : memref<10240x128xf32, #tpu.memory_space<hbm>> -> memref<10240x128xf32, #tpu.memory_space<hbm>>
    tpu.enqueue_indirect_dma source(%dma_start3A_34 : memref<10240x128xf32, #tpu.memory_space<hbm>>) target(%arg10 : memref<128x128xf32, #tpu.memory_space<vmem>>) offsets(%dma_start3A_31 : memref<128xi32, #tpu.memory_space<vmem>>) semaphore(%arg13 : memref<!tpu.dma_semaphore, #tpu.memory_space<semaphore_mem>>)
    %scan3A_35 = arith.constant 0 : i32
    %scan3A_36 = arith.constant 0 : i32
    %scan3A_37 = arith.constant 20 : i32
    %scan3A_38 = arith.addi %scan3A_36, %scan3A_37 : i32
    %scan3A_39 = arith.constant 1 : i32
    scf.for %scan3A_46 = %scan3A_36 to %scan3A_38 step %scan3A_39  : i32 {
      %mul3A_47 = arith.constant 2 : i32
      %mul3A_48 = arith.muli %mul3A_47, %scan3A_46 : i32
      %dma_wait3A = arith.constant 0 : i32
      %dma_wait3A_49 = tpu.memref_slice %arg7[%mul3A_48, %dma_wait3A] : memref<40x128xi32, #tpu.memory_space<vmem>> -> memref<1x128xi32, #tpu.memory_space<vmem>>
      %dma_wait3A_50 = tpu.memref_squeeze %dma_wait3A_49 : memref<1x128xi32, #tpu.memory_space<vmem>> -> memref<128xi32, #tpu.memory_space<vmem>>
      %dma_wait3A_51 = arith.constant 0 : i32
      %dma_wait3A_52 = arith.constant 0 : i32
      %dma_wait3A_53 = tpu.memref_slice %arg2[%dma_wait3A_51, %dma_wait3A_52] : memref<10240x128xf32, #tpu.memory_space<hbm>> -> memref<10240x128xf32, #tpu.memory_space<hbm>>
      tpu.wait_indirect_dma semaphore(%arg12 : memref<!tpu.dma_semaphore, #tpu.memory_space<semaphore_mem>>) src(%dma_wait3A_53 : memref<10240x128xf32, #tpu.memory_space<hbm>>) dst(%arg9 : memref<128x128xf32, #tpu.memory_space<vmem>>)
      "tpu.region"() ({
        %run_scoped3A = tpu.sem_alloc : memref<!tpu.dma_semaphore, #tpu.memory_space<semaphore_mem>>
        %dma_start3A_75 = arith.constant 0 : i32
        %dma_start3A_76 = tpu.memref_slice %arg8[%mul3A_48, %dma_start3A_75] : memref<40x128xi32, #tpu.memory_space<vmem>> -> memref<1x128xi32, #tpu.memory_space<vmem>>
        %dma_start3A_77 = tpu.memref_squeeze %dma_start3A_76 : memref<1x128xi32, #tpu.memory_space<vmem>> -> memref<128xi32, #tpu.memory_space<vmem>>
        %dma_start3A_78 = arith.constant 0 : i32
        %dma_start3A_79 = arith.constant 0 : i32
        %dma_start3A_80 = tpu.memref_slice %arg11[%dma_start3A_78, %dma_start3A_79] : memref<10240x128xf32, #tpu.memory_space<vmem_shared>> -> memref<10240x128xf32, #tpu.memory_space<vmem_shared>>
        tpu.enqueue_indirect_dma source(%arg9 : memref<128x128xf32, #tpu.memory_space<vmem>>) target(%dma_start3A_80 : memref<10240x128xf32, #tpu.memory_space<vmem_shared>>) offsets(%dma_start3A_77 : memref<128xi32, #tpu.memory_space<vmem>>) semaphore(%run_scoped3A : memref<!tpu.dma_semaphore, #tpu.memory_space<semaphore_mem>>) {add = true}
        %dma_wait3A_81 = arith.constant 0 : i32
        %dma_wait3A_82 = tpu.memref_slice %arg8[%mul3A_48, %dma_wait3A_81] : memref<40x128xi32, #tpu.memory_space<vmem>> -> memref<1x128xi32, #tpu.memory_space<vmem>>
        %dma_wait3A_83 = tpu.memref_squeeze %dma_wait3A_82 : memref<1x128xi32, #tpu.memory_space<vmem>> -> memref<128xi32, #tpu.memory_space<vmem>>
        %dma_wait3A_84 = arith.constant 0 : i32
        %dma_wait3A_85 = arith.constant 0 : i32
        %dma_wait3A_86 = tpu.memref_slice %arg11[%dma_wait3A_84, %dma_wait3A_85] : memref<10240x128xf32, #tpu.memory_space<vmem_shared>> -> memref<10240x128xf32, #tpu.memory_space<vmem_shared>>
        tpu.wait_indirect_dma semaphore(%run_scoped3A : memref<!tpu.dma_semaphore, #tpu.memory_space<semaphore_mem>>) src(%arg9 : memref<128x128xf32, #tpu.memory_space<vmem>>) dst(%dma_wait3A_86 : memref<10240x128xf32, #tpu.memory_space<vmem_shared>>)
        tpu.yield
      }) : () -> ()
      %add3A_54 = arith.constant 2 : i32
      %add3A_55 = arith.addi %mul3A_48, %add3A_54 : i32
      %lt3A = arith.constant 40 : i32
      %lt3A_56 = arith.cmpi slt, %add3A_55, %lt3A : i32
      %convert_element_type3A = arith.extui %lt3A_56 : i1 to i32
      %cond3A = arith.constant 0 : i32
      %cond3A_57 = arith.cmpi ne, %convert_element_type3A, %cond3A : i32
      scf.if %cond3A_57 {
        %add3A_75 = arith.constant 2 : i32
        %add3A_76 = arith.addi %mul3A_48, %add3A_75 : i32
        %dma_start3A_77 = arith.constant 0 : i32
        %dma_start3A_78 = tpu.memref_slice %arg7[%add3A_76, %dma_start3A_77] : memref<40x128xi32, #tpu.memory_space<vmem>> -> memref<1x128xi32, #tpu.memory_space<vmem>>
        %dma_start3A_79 = tpu.memref_squeeze %dma_start3A_78 : memref<1x128xi32, #tpu.memory_space<vmem>> -> memref<128xi32, #tpu.memory_space<vmem>>
        %dma_start3A_80 = arith.constant 0 : i32
        %dma_start3A_81 = arith.constant 0 : i32
        %dma_start3A_82 = tpu.memref_slice %arg2[%dma_start3A_80, %dma_start3A_81] : memref<10240x128xf32, #tpu.memory_space<hbm>> -> memref<10240x128xf32, #tpu.memory_space<hbm>>
        tpu.enqueue_indirect_dma source(%dma_start3A_82 : memref<10240x128xf32, #tpu.memory_space<hbm>>) target(%arg9 : memref<128x128xf32, #tpu.memory_space<vmem>>) offsets(%dma_start3A_79 : memref<128xi32, #tpu.memory_space<vmem>>) semaphore(%arg12 : memref<!tpu.dma_semaphore, #tpu.memory_space<semaphore_mem>>)
      } else {
      }
      %add3A_58 = arith.constant 1 : i32
      %add3A_59 = arith.addi %mul3A_48, %add3A_58 : i32
      %dma_wait3A_60 = arith.constant 0 : i32
      %dma_wait3A_61 = tpu.memref_slice %arg7[%add3A_59, %dma_wait3A_60] : memref<40x128xi32, #tpu.memory_space<vmem>> -> memref<1x128xi32, #tpu.memory_space<vmem>>
      %dma_wait3A_62 = tpu.memref_squeeze %dma_wait3A_61 : memref<1x128xi32, #tpu.memory_space<vmem>> -> memref<128xi32, #tpu.memory_space<vmem>>
      %dma_wait3A_63 = arith.constant 0 : i32
      %dma_wait3A_64 = arith.constant 0 : i32
      %dma_wait3A_65 = tpu.memref_slice %arg2[%dma_wait3A_63, %dma_wait3A_64] : memref<10240x128xf32, #tpu.memory_space<hbm>> -> memref<10240x128xf32, #tpu.memory_space<hbm>>
      tpu.wait_indirect_dma semaphore(%arg13 : memref<!tpu.dma_semaphore, #tpu.memory_space<semaphore_mem>>) src(%dma_wait3A_65 : memref<10240x128xf32, #tpu.memory_space<hbm>>) dst(%arg10 : memref<128x128xf32, #tpu.memory_space<vmem>>)
      %add3A_66 = arith.constant 1 : i32
      %add3A_67 = arith.addi %mul3A_48, %add3A_66 : i32
      "tpu.region"() ({
        %run_scoped3A = tpu.sem_alloc : memref<!tpu.dma_semaphore, #tpu.memory_space<semaphore_mem>>
        %dma_start3A_75 = arith.constant 0 : i32
        %dma_start3A_76 = tpu.memref_slice %arg8[%add3A_67, %dma_start3A_75] : memref<40x128xi32, #tpu.memory_space<vmem>> -> memref<1x128xi32, #tpu.memory_space<vmem>>
        %dma_start3A_77 = tpu.memref_squeeze %dma_start3A_76 : memref<1x128xi32, #tpu.memory_space<vmem>> -> memref<128xi32, #tpu.memory_space<vmem>>
        %dma_start3A_78 = arith.constant 0 : i32
        %dma_start3A_79 = arith.constant 0 : i32
        %dma_start3A_80 = tpu.memref_slice %arg11[%dma_start3A_78, %dma_start3A_79] : memref<10240x128xf32, #tpu.memory_space<vmem_shared>> -> memref<10240x128xf32, #tpu.memory_space<vmem_shared>>
        tpu.enqueue_indirect_dma source(%arg10 : memref<128x128xf32, #tpu.memory_space<vmem>>) target(%dma_start3A_80 : memref<10240x128xf32, #tpu.memory_space<vmem_shared>>) offsets(%dma_start3A_77 : memref<128xi32, #tpu.memory_space<vmem>>) semaphore(%run_scoped3A : memref<!tpu.dma_semaphore, #tpu.memory_space<semaphore_mem>>) {add = true}
        %dma_wait3A_81 = arith.constant 0 : i32
        %dma_wait3A_82 = tpu.memref_slice %arg8[%add3A_67, %dma_wait3A_81] : memref<40x128xi32, #tpu.memory_space<vmem>> -> memref<1x128xi32, #tpu.memory_space<vmem>>
        %dma_wait3A_83 = tpu.memref_squeeze %dma_wait3A_82 : memref<1x128xi32, #tpu.memory_space<vmem>> -> memref<128xi32, #tpu.memory_space<vmem>>
        %dma_wait3A_84 = arith.constant 0 : i32
        %dma_wait3A_85 = arith.constant 0 : i32
        %dma_wait3A_86 = tpu.memref_slice %arg11[%dma_wait3A_84, %dma_wait3A_85] : memref<10240x128xf32, #tpu.memory_space<vmem_shared>> -> memref<10240x128xf32, #tpu.memory_space<vmem_shared>>
        tpu.wait_indirect_dma semaphore(%run_scoped3A : memref<!tpu.dma_semaphore, #tpu.memory_space<semaphore_mem>>) src(%arg10 : memref<128x128xf32, #tpu.memory_space<vmem>>) dst(%dma_wait3A_86 : memref<10240x128xf32, #tpu.memory_space<vmem_shared>>)
        tpu.yield
      }) : () -> ()
      %add3A_68 = arith.constant 3 : i32
      %add3A_69 = arith.addi %mul3A_48, %add3A_68 : i32
      %lt3A_70 = arith.constant 40 : i32
      %lt3A_71 = arith.cmpi slt, %add3A_69, %lt3A_70 : i32
      %convert_element_type3A_72 = arith.extui %lt3A_71 : i1 to i32
      %cond3A_73 = arith.constant 0 : i32
      %cond3A_74 = arith.cmpi ne, %convert_element_type3A_72, %cond3A_73 : i32
      scf.if %cond3A_74 {
        %add3A_75 = arith.constant 3 : i32
        %add3A_76 = arith.addi %mul3A_48, %add3A_75 : i32
        %dma_start3A_77 = arith.constant 0 : i32
        %dma_start3A_78 = tpu.memref_slice %arg7[%add3A_76, %dma_start3A_77] : memref<40x128xi32, #tpu.memory_space<vmem>> -> memref<1x128xi32, #tpu.memory_space<vmem>>
        %dma_start3A_79 = tpu.memref_squeeze %dma_start3A_78 : memref<1x128xi32, #tpu.memory_space<vmem>> -> memref<128xi32, #tpu.memory_space<vmem>>
        %dma_start3A_80 = arith.constant 0 : i32
        %dma_start3A_81 = arith.constant 0 : i32
        %dma_start3A_82 = tpu.memref_slice %arg2[%dma_start3A_80, %dma_start3A_81] : memref<10240x128xf32, #tpu.memory_space<hbm>> -> memref<10240x128xf32, #tpu.memory_space<hbm>>
        tpu.enqueue_indirect_dma source(%dma_start3A_82 : memref<10240x128xf32, #tpu.memory_space<hbm>>) target(%arg10 : memref<128x128xf32, #tpu.memory_space<vmem>>) offsets(%dma_start3A_79 : memref<128xi32, #tpu.memory_space<vmem>>) semaphore(%arg13 : memref<!tpu.dma_semaphore, #tpu.memory_space<semaphore_mem>>)
      } else {
      }
    }
    %scan3A_40 = arith.constant 20 : i32
    %barrier3A_41 = arith.constant 0 : index
    tpu.barrier barrier_id(%barrier3A_41)
    %mul3A_42 = arith.constant 640 : i32
    %mul3A_43 = arith.muli %arg1, %mul3A_42 : i32
    %mul3A_44 = arith.constant 640 : i32
    %mul3A_45 = arith.muli %arg1, %mul3A_44 : i32
    "tpu.region"() ({
      %run_scoped3A = tpu.sem_alloc : memref<!tpu.dma_semaphore, #tpu.memory_space<semaphore_mem>>
      %dma_start3A_46 = arith.constant 0 : i32
      %dma_start3A_47 = tpu.memref_slice %arg6[%arg0, %mul3A_45, %dma_start3A_46] : memref<2x10240x128xf32, #tpu.memory_space<hbm>> -> memref<1x640x128xf32, #tpu.memory_space<hbm>>
      %dma_start3A_48 = tpu.memref_squeeze %dma_start3A_47 : memref<1x640x128xf32, #tpu.memory_space<hbm>> -> memref<640x128xf32, #tpu.memory_space<hbm>>
      %dma_start3A_49 = arith.constant 0 : i32
      %dma_start3A_50 = tpu.memref_slice %arg11[%mul3A_43, %dma_start3A_49] : memref<10240x128xf32, #tpu.memory_space<vmem_shared>> -> memref<640x128xf32, #tpu.memory_space<vmem_shared>>
      tpu.enqueue_dma source(%dma_start3A_50 : memref<640x128xf32, #tpu.memory_space<vmem_shared>>) target(%dma_start3A_48 : memref<640x128xf32, #tpu.memory_space<hbm>>) target_semaphore(%run_scoped3A : memref<!tpu.dma_semaphore, #tpu.memory_space<semaphore_mem>>)
      %dma_wait3A = arith.constant 0 : i32
      %dma_wait3A_51 = tpu.memref_slice %arg6[%arg0, %mul3A_45, %dma_wait3A] : memref<2x10240x128xf32, #tpu.memory_space<hbm>> -> memref<1x640x128xf32, #tpu.memory_space<hbm>>
      %dma_wait3A_52 = tpu.memref_squeeze %dma_wait3A_51 : memref<1x640x128xf32, #tpu.memory_space<hbm>> -> memref<640x128xf32, #tpu.memory_space<hbm>>
      %dma_wait3A_53 = arith.constant 0 : i32
      %dma_wait3A_54 = tpu.memref_slice %arg11[%mul3A_43, %dma_wait3A_53] : memref<10240x128xf32, #tpu.memory_space<vmem_shared>> -> memref<640x128xf32, #tpu.memory_space<vmem_shared>>
      tpu.wait_dma2 semaphore(%run_scoped3A : memref<!tpu.dma_semaphore, #tpu.memory_space<semaphore_mem>>) src(%dma_wait3A_54 : memref<640x128xf32, #tpu.memory_space<vmem_shared>>) dst(%dma_wait3A_52 : memref<640x128xf32, #tpu.memory_space<hbm>>)
      tpu.yield
    }) : () -> ()
    return
  }
}

#map = affine_map<(d0, d1) -> (0, 0)>
#map1 = affine_map<(d0, d1) -> (0, 0, 0)>
module attributes {stable_mosaic.version = 14 : i64} {
  func.func @_edge_pass(%arg0: i32, %arg1: i32, %arg2: memref<10240x128xf32, #tpu.memory_space<hbm>>, %arg3: memref<32x80x128xi32, #tpu.memory_space<hbm>>, %arg4: memref<32x80x128xi32, #tpu.memory_space<hbm>>, %arg5: memref<640x128xf32, #tpu.memory_space<hbm>>, %arg6: memref<2x10240x128xf32, #tpu.memory_space<hbm>>, %arg7: memref<40x128xi32, #tpu.memory_space<vmem>>, %arg8: memref<40x128xi32, #tpu.memory_space<vmem>>, %arg9: memref<128x128xf32, #tpu.memory_space<vmem>>, %arg10: memref<128x128xf32, #tpu.memory_space<vmem>>, %arg11: memref<10240x128xf32, #tpu.memory_space<vmem_shared>>, %arg12: memref<!tpu.dma_semaphore, #tpu.memory_space<semaphore_mem>>, %arg13: memref<!tpu.dma_semaphore, #tpu.memory_space<semaphore_mem>>) attributes {dimension_semantics = [#tpu.dimension_semantics<core_parallel>, #tpu.dimension_semantics<subcore_parallel>], iteration_bounds = array<i64: 2, 16>, scalar_prefetch = 0 : i64, scratch_operands = 7 : i64, tpu.core_type = #tpu.core_type<sc_vector_subcore>, window_params = [{transform_indices = #map}, {transform_indices = #map1}, {transform_indices = #map1}, {transform_indices = #map}, {transform_indices = #map1}]} {
    %mul3A = arith.constant 16 : i32
    %mul3A_0 = arith.muli %arg0, %mul3A : i32
    %add3A = arith.addi %mul3A_0, %arg1 : i32
    %mul3A_1 = arith.constant 640 : i32
    %mul3A_2 = arith.muli %arg1, %mul3A_1 : i32
    "tpu.region"() ({
      %run_scoped3A = tpu.sem_alloc : memref<!tpu.dma_semaphore, #tpu.memory_space<semaphore_mem>>
      %dma_start3A_46 = arith.constant 0 : i32
      %dma_start3A_47 = tpu.memref_slice %arg11[%mul3A_2, %dma_start3A_46] : memref<10240x128xf32, #tpu.memory_space<vmem_shared>> -> memref<640x128xf32, #tpu.memory_space<vmem_shared>>
      tpu.enqueue_dma source(%arg5 : memref<640x128xf32, #tpu.memory_space<hbm>>) target(%dma_start3A_47 : memref<640x128xf32, #tpu.memory_space<vmem_shared>>) target_semaphore(%run_scoped3A : memref<!tpu.dma_semaphore, #tpu.memory_space<semaphore_mem>>)
      %dma_wait3A = arith.constant 0 : i32
      %dma_wait3A_48 = tpu.memref_slice %arg11[%mul3A_2, %dma_wait3A] : memref<10240x128xf32, #tpu.memory_space<vmem_shared>> -> memref<640x128xf32, #tpu.memory_space<vmem_shared>>
      tpu.wait_dma2 semaphore(%run_scoped3A : memref<!tpu.dma_semaphore, #tpu.memory_space<semaphore_mem>>) src(%arg5 : memref<640x128xf32, #tpu.memory_space<hbm>>) dst(%dma_wait3A_48 : memref<640x128xf32, #tpu.memory_space<vmem_shared>>)
      tpu.yield
    }) : () -> ()
    %barrier3A = arith.constant 0 : index
    tpu.barrier barrier_id(%barrier3A)
    "tpu.region"() ({
      %run_scoped3A = tpu.sem_alloc : memref<!tpu.dma_semaphore, #tpu.memory_space<semaphore_mem>>
      %dma_start3A_46 = arith.constant 0 : i32
      %dma_start3A_47 = arith.constant 0 : i32
      %dma_start3A_48 = tpu.memref_slice %arg3[%add3A, %dma_start3A_46, %dma_start3A_47] : memref<32x80x128xi32, #tpu.memory_space<hbm>> -> memref<1x40x128xi32, #tpu.memory_space<hbm>>
      %dma_start3A_49 = tpu.memref_squeeze %dma_start3A_48 : memref<1x40x128xi32, #tpu.memory_space<hbm>> -> memref<40x128xi32, #tpu.memory_space<hbm>>
      %dma_start3A_50 = arith.constant 0 : i32
      %dma_start3A_51 = arith.constant 0 : i32
      %dma_start3A_52 = tpu.memref_slice %arg3[%add3A, %dma_start3A_50, %dma_start3A_51] : memref<32x80x128xi32, #tpu.memory_space<hbm>> -> memref<1x40x128xi32, #tpu.memory_space<hbm>>
      %dma_start3A_53 = tpu.memref_squeeze %dma_start3A_52 : memref<1x40x128xi32, #tpu.memory_space<hbm>> -> memref<40x128xi32, #tpu.memory_space<hbm>>
      tpu.enqueue_dma source(%dma_start3A_53 : memref<40x128xi32, #tpu.memory_space<hbm>>) target(%arg7 : memref<40x128xi32, #tpu.memory_space<vmem>>) target_semaphore(%run_scoped3A : memref<!tpu.dma_semaphore, #tpu.memory_space<semaphore_mem>>)
      %dma_wait3A = arith.constant 0 : i32
      %dma_wait3A_54 = arith.constant 0 : i32
      %dma_wait3A_55 = tpu.memref_slice %arg3[%add3A, %dma_wait3A, %dma_wait3A_54] : memref<32x80x128xi32, #tpu.memory_space<hbm>> -> memref<1x40x128xi32, #tpu.memory_space<hbm>>
      %dma_wait3A_56 = tpu.memref_squeeze %dma_wait3A_55 : memref<1x40x128xi32, #tpu.memory_space<hbm>> -> memref<40x128xi32, #tpu.memory_space<hbm>>
      %dma_wait3A_57 = arith.constant 0 : i32
      %dma_wait3A_58 = arith.constant 0 : i32
      %dma_wait3A_59 = tpu.memref_slice %arg3[%add3A, %dma_wait3A_57, %dma_wait3A_58] : memref<32x80x128xi32, #tpu.memory_space<hbm>> -> memref<1x40x128xi32, #tpu.memory_space<hbm>>
      %dma_wait3A_60 = tpu.memref_squeeze %dma_wait3A_59 : memref<1x40x128xi32, #tpu.memory_space<hbm>> -> memref<40x128xi32, #tpu.memory_space<hbm>>
      tpu.wait_dma2 semaphore(%run_scoped3A : memref<!tpu.dma_semaphore, #tpu.memory_space<semaphore_mem>>) src(%dma_wait3A_60 : memref<40x128xi32, #tpu.memory_space<hbm>>) dst(%arg7 : memref<40x128xi32, #tpu.memory_space<vmem>>)
      tpu.yield
    }) : () -> ()
    "tpu.region"() ({
      %run_scoped3A = tpu.sem_alloc : memref<!tpu.dma_semaphore, #tpu.memory_space<semaphore_mem>>
      %dma_start3A_46 = arith.constant 0 : i32
      %dma_start3A_47 = arith.constant 0 : i32
      %dma_start3A_48 = tpu.memref_slice %arg4[%add3A, %dma_start3A_46, %dma_start3A_47] : memref<32x80x128xi32, #tpu.memory_space<hbm>> -> memref<1x40x128xi32, #tpu.memory_space<hbm>>
      %dma_start3A_49 = tpu.memref_squeeze %dma_start3A_48 : memref<1x40x128xi32, #tpu.memory_space<hbm>> -> memref<40x128xi32, #tpu.memory_space<hbm>>
      %dma_start3A_50 = arith.constant 0 : i32
      %dma_start3A_51 = arith.constant 0 : i32
      %dma_start3A_52 = tpu.memref_slice %arg4[%add3A, %dma_start3A_50, %dma_start3A_51] : memref<32x80x128xi32, #tpu.memory_space<hbm>> -> memref<1x40x128xi32, #tpu.memory_space<hbm>>
      %dma_start3A_53 = tpu.memref_squeeze %dma_start3A_52 : memref<1x40x128xi32, #tpu.memory_space<hbm>> -> memref<40x128xi32, #tpu.memory_space<hbm>>
      tpu.enqueue_dma source(%dma_start3A_53 : memref<40x128xi32, #tpu.memory_space<hbm>>) target(%arg8 : memref<40x128xi32, #tpu.memory_space<vmem>>) target_semaphore(%run_scoped3A : memref<!tpu.dma_semaphore, #tpu.memory_space<semaphore_mem>>)
      %dma_wait3A = arith.constant 0 : i32
      %dma_wait3A_54 = arith.constant 0 : i32
      %dma_wait3A_55 = tpu.memref_slice %arg4[%add3A, %dma_wait3A, %dma_wait3A_54] : memref<32x80x128xi32, #tpu.memory_space<hbm>> -> memref<1x40x128xi32, #tpu.memory_space<hbm>>
      %dma_wait3A_56 = tpu.memref_squeeze %dma_wait3A_55 : memref<1x40x128xi32, #tpu.memory_space<hbm>> -> memref<40x128xi32, #tpu.memory_space<hbm>>
      %dma_wait3A_57 = arith.constant 0 : i32
      %dma_wait3A_58 = arith.constant 0 : i32
      %dma_wait3A_59 = tpu.memref_slice %arg4[%add3A, %dma_wait3A_57, %dma_wait3A_58] : memref<32x80x128xi32, #tpu.memory_space<hbm>> -> memref<1x40x128xi32, #tpu.memory_space<hbm>>
      %dma_wait3A_60 = tpu.memref_squeeze %dma_wait3A_59 : memref<1x40x128xi32, #tpu.memory_space<hbm>> -> memref<40x128xi32, #tpu.memory_space<hbm>>
      tpu.wait_dma2 semaphore(%run_scoped3A : memref<!tpu.dma_semaphore, #tpu.memory_space<semaphore_mem>>) src(%dma_wait3A_60 : memref<40x128xi32, #tpu.memory_space<hbm>>) dst(%arg8 : memref<40x128xi32, #tpu.memory_space<vmem>>)
      tpu.yield
    }) : () -> ()
    %dma_start3A = arith.constant 0 : i32
    %dma_start3A_3 = arith.constant 0 : i32
    %dma_start3A_4 = tpu.memref_slice %arg7[%dma_start3A, %dma_start3A_3] : memref<40x128xi32, #tpu.memory_space<vmem>> -> memref<1x128xi32, #tpu.memory_space<vmem>>
    %dma_start3A_5 = tpu.memref_squeeze %dma_start3A_4 : memref<1x128xi32, #tpu.memory_space<vmem>> -> memref<128xi32, #tpu.memory_space<vmem>>
    %dma_start3A_6 = arith.constant 0 : i32
    %dma_start3A_7 = arith.constant 0 : i32
    %dma_start3A_8 = tpu.memref_slice %arg2[%dma_start3A_6, %dma_start3A_7] : memref<10240x128xf32, #tpu.memory_space<hbm>> -> memref<10240x128xf32, #tpu.memory_space<hbm>>
    tpu.enqueue_indirect_dma source(%dma_start3A_8 : memref<10240x128xf32, #tpu.memory_space<hbm>>) target(%arg9 : memref<128x128xf32, #tpu.memory_space<vmem>>) offsets(%dma_start3A_5 : memref<128xi32, #tpu.memory_space<vmem>>) semaphore(%arg12 : memref<!tpu.dma_semaphore, #tpu.memory_space<semaphore_mem>>)
    %dma_start3A_9 = arith.constant 1 : i32
    %dma_start3A_10 = arith.constant 0 : i32
    %dma_start3A_11 = tpu.memref_slice %arg7[%dma_start3A_9, %dma_start3A_10] : memref<40x128xi32, #tpu.memory_space<vmem>> -> memref<1x128xi32, #tpu.memory_space<vmem>>
    %dma_start3A_12 = tpu.memref_squeeze %dma_start3A_11 : memref<1x128xi32, #tpu.memory_space<vmem>> -> memref<128xi32, #tpu.memory_space<vmem>>
    %dma_start3A_13 = arith.constant 0 : i32
    %dma_start3A_14 = arith.constant 0 : i32
    %dma_start3A_15 = tpu.memref_slice %arg2[%dma_start3A_13, %dma_start3A_14] : memref<10240x128xf32, #tpu.memory_space<hbm>> -> memref<10240x128xf32, #tpu.memory_space<hbm>>
    tpu.enqueue_indirect_dma source(%dma_start3A_15 : memref<10240x128xf32, #tpu.memory_space<hbm>>) target(%arg10 : memref<128x128xf32, #tpu.memory_space<vmem>>) offsets(%dma_start3A_12 : memref<128xi32, #tpu.memory_space<vmem>>) semaphore(%arg13 : memref<!tpu.dma_semaphore, #tpu.memory_space<semaphore_mem>>)
    %scan3A = arith.constant 0 : i32
    %scan3A_16 = arith.constant 0 : i32
    %scan3A_17 = arith.constant 20 : i32
    %scan3A_18 = arith.addi %scan3A_16, %scan3A_17 : i32
    %scan3A_19 = arith.constant 1 : i32
    scf.for %scan3A_46 = %scan3A_16 to %scan3A_18 step %scan3A_19  : i32 {
      %mul3A_47 = arith.constant 2 : i32
      %mul3A_48 = arith.muli %mul3A_47, %scan3A_46 : i32
      %dma_wait3A = arith.constant 0 : i32
      %dma_wait3A_49 = tpu.memref_slice %arg7[%mul3A_48, %dma_wait3A] : memref<40x128xi32, #tpu.memory_space<vmem>> -> memref<1x128xi32, #tpu.memory_space<vmem>>
      %dma_wait3A_50 = tpu.memref_squeeze %dma_wait3A_49 : memref<1x128xi32, #tpu.memory_space<vmem>> -> memref<128xi32, #tpu.memory_space<vmem>>
      %dma_wait3A_51 = arith.constant 0 : i32
      %dma_wait3A_52 = arith.constant 0 : i32
      %dma_wait3A_53 = tpu.memref_slice %arg2[%dma_wait3A_51, %dma_wait3A_52] : memref<10240x128xf32, #tpu.memory_space<hbm>> -> memref<10240x128xf32, #tpu.memory_space<hbm>>
      tpu.wait_indirect_dma semaphore(%arg12 : memref<!tpu.dma_semaphore, #tpu.memory_space<semaphore_mem>>) src(%dma_wait3A_53 : memref<10240x128xf32, #tpu.memory_space<hbm>>) dst(%arg9 : memref<128x128xf32, #tpu.memory_space<vmem>>)
      "tpu.region"() ({
        %run_scoped3A = tpu.sem_alloc : memref<!tpu.dma_semaphore, #tpu.memory_space<semaphore_mem>>
        %dma_start3A_75 = arith.constant 0 : i32
        %dma_start3A_76 = tpu.memref_slice %arg8[%mul3A_48, %dma_start3A_75] : memref<40x128xi32, #tpu.memory_space<vmem>> -> memref<1x128xi32, #tpu.memory_space<vmem>>
        %dma_start3A_77 = tpu.memref_squeeze %dma_start3A_76 : memref<1x128xi32, #tpu.memory_space<vmem>> -> memref<128xi32, #tpu.memory_space<vmem>>
        %dma_start3A_78 = arith.constant 0 : i32
        %dma_start3A_79 = arith.constant 0 : i32
        %dma_start3A_80 = tpu.memref_slice %arg11[%dma_start3A_78, %dma_start3A_79] : memref<10240x128xf32, #tpu.memory_space<vmem_shared>> -> memref<10240x128xf32, #tpu.memory_space<vmem_shared>>
        tpu.enqueue_indirect_dma source(%arg9 : memref<128x128xf32, #tpu.memory_space<vmem>>) target(%dma_start3A_80 : memref<10240x128xf32, #tpu.memory_space<vmem_shared>>) offsets(%dma_start3A_77 : memref<128xi32, #tpu.memory_space<vmem>>) semaphore(%run_scoped3A : memref<!tpu.dma_semaphore, #tpu.memory_space<semaphore_mem>>) {add = true}
        %dma_wait3A_81 = arith.constant 0 : i32
        %dma_wait3A_82 = tpu.memref_slice %arg8[%mul3A_48, %dma_wait3A_81] : memref<40x128xi32, #tpu.memory_space<vmem>> -> memref<1x128xi32, #tpu.memory_space<vmem>>
        %dma_wait3A_83 = tpu.memref_squeeze %dma_wait3A_82 : memref<1x128xi32, #tpu.memory_space<vmem>> -> memref<128xi32, #tpu.memory_space<vmem>>
        %dma_wait3A_84 = arith.constant 0 : i32
        %dma_wait3A_85 = arith.constant 0 : i32
        %dma_wait3A_86 = tpu.memref_slice %arg11[%dma_wait3A_84, %dma_wait3A_85] : memref<10240x128xf32, #tpu.memory_space<vmem_shared>> -> memref<10240x128xf32, #tpu.memory_space<vmem_shared>>
        tpu.wait_indirect_dma semaphore(%run_scoped3A : memref<!tpu.dma_semaphore, #tpu.memory_space<semaphore_mem>>) src(%arg9 : memref<128x128xf32, #tpu.memory_space<vmem>>) dst(%dma_wait3A_86 : memref<10240x128xf32, #tpu.memory_space<vmem_shared>>)
        tpu.yield
      }) : () -> ()
      %add3A_54 = arith.constant 2 : i32
      %add3A_55 = arith.addi %mul3A_48, %add3A_54 : i32
      %lt3A = arith.constant 40 : i32
      %lt3A_56 = arith.cmpi slt, %add3A_55, %lt3A : i32
      %convert_element_type3A = arith.extui %lt3A_56 : i1 to i32
      %cond3A = arith.constant 0 : i32
      %cond3A_57 = arith.cmpi ne, %convert_element_type3A, %cond3A : i32
      scf.if %cond3A_57 {
        %add3A_75 = arith.constant 2 : i32
        %add3A_76 = arith.addi %mul3A_48, %add3A_75 : i32
        %dma_start3A_77 = arith.constant 0 : i32
        %dma_start3A_78 = tpu.memref_slice %arg7[%add3A_76, %dma_start3A_77] : memref<40x128xi32, #tpu.memory_space<vmem>> -> memref<1x128xi32, #tpu.memory_space<vmem>>
        %dma_start3A_79 = tpu.memref_squeeze %dma_start3A_78 : memref<1x128xi32, #tpu.memory_space<vmem>> -> memref<128xi32, #tpu.memory_space<vmem>>
        %dma_start3A_80 = arith.constant 0 : i32
        %dma_start3A_81 = arith.constant 0 : i32
        %dma_start3A_82 = tpu.memref_slice %arg2[%dma_start3A_80, %dma_start3A_81] : memref<10240x128xf32, #tpu.memory_space<hbm>> -> memref<10240x128xf32, #tpu.memory_space<hbm>>
        tpu.enqueue_indirect_dma source(%dma_start3A_82 : memref<10240x128xf32, #tpu.memory_space<hbm>>) target(%arg9 : memref<128x128xf32, #tpu.memory_space<vmem>>) offsets(%dma_start3A_79 : memref<128xi32, #tpu.memory_space<vmem>>) semaphore(%arg12 : memref<!tpu.dma_semaphore, #tpu.memory_space<semaphore_mem>>)
      } else {
      }
      %add3A_58 = arith.constant 1 : i32
      %add3A_59 = arith.addi %mul3A_48, %add3A_58 : i32
      %dma_wait3A_60 = arith.constant 0 : i32
      %dma_wait3A_61 = tpu.memref_slice %arg7[%add3A_59, %dma_wait3A_60] : memref<40x128xi32, #tpu.memory_space<vmem>> -> memref<1x128xi32, #tpu.memory_space<vmem>>
      %dma_wait3A_62 = tpu.memref_squeeze %dma_wait3A_61 : memref<1x128xi32, #tpu.memory_space<vmem>> -> memref<128xi32, #tpu.memory_space<vmem>>
      %dma_wait3A_63 = arith.constant 0 : i32
      %dma_wait3A_64 = arith.constant 0 : i32
      %dma_wait3A_65 = tpu.memref_slice %arg2[%dma_wait3A_63, %dma_wait3A_64] : memref<10240x128xf32, #tpu.memory_space<hbm>> -> memref<10240x128xf32, #tpu.memory_space<hbm>>
      tpu.wait_indirect_dma semaphore(%arg13 : memref<!tpu.dma_semaphore, #tpu.memory_space<semaphore_mem>>) src(%dma_wait3A_65 : memref<10240x128xf32, #tpu.memory_space<hbm>>) dst(%arg10 : memref<128x128xf32, #tpu.memory_space<vmem>>)
      %add3A_66 = arith.constant 1 : i32
      %add3A_67 = arith.addi %mul3A_48, %add3A_66 : i32
      "tpu.region"() ({
        %run_scoped3A = tpu.sem_alloc : memref<!tpu.dma_semaphore, #tpu.memory_space<semaphore_mem>>
        %dma_start3A_75 = arith.constant 0 : i32
        %dma_start3A_76 = tpu.memref_slice %arg8[%add3A_67, %dma_start3A_75] : memref<40x128xi32, #tpu.memory_space<vmem>> -> memref<1x128xi32, #tpu.memory_space<vmem>>
        %dma_start3A_77 = tpu.memref_squeeze %dma_start3A_76 : memref<1x128xi32, #tpu.memory_space<vmem>> -> memref<128xi32, #tpu.memory_space<vmem>>
        %dma_start3A_78 = arith.constant 0 : i32
        %dma_start3A_79 = arith.constant 0 : i32
        %dma_start3A_80 = tpu.memref_slice %arg11[%dma_start3A_78, %dma_start3A_79] : memref<10240x128xf32, #tpu.memory_space<vmem_shared>> -> memref<10240x128xf32, #tpu.memory_space<vmem_shared>>
        tpu.enqueue_indirect_dma source(%arg10 : memref<128x128xf32, #tpu.memory_space<vmem>>) target(%dma_start3A_80 : memref<10240x128xf32, #tpu.memory_space<vmem_shared>>) offsets(%dma_start3A_77 : memref<128xi32, #tpu.memory_space<vmem>>) semaphore(%run_scoped3A : memref<!tpu.dma_semaphore, #tpu.memory_space<semaphore_mem>>) {add = true}
        %dma_wait3A_81 = arith.constant 0 : i32
        %dma_wait3A_82 = tpu.memref_slice %arg8[%add3A_67, %dma_wait3A_81] : memref<40x128xi32, #tpu.memory_space<vmem>> -> memref<1x128xi32, #tpu.memory_space<vmem>>
        %dma_wait3A_83 = tpu.memref_squeeze %dma_wait3A_82 : memref<1x128xi32, #tpu.memory_space<vmem>> -> memref<128xi32, #tpu.memory_space<vmem>>
        %dma_wait3A_84 = arith.constant 0 : i32
        %dma_wait3A_85 = arith.constant 0 : i32
        %dma_wait3A_86 = tpu.memref_slice %arg11[%dma_wait3A_84, %dma_wait3A_85] : memref<10240x128xf32, #tpu.memory_space<vmem_shared>> -> memref<10240x128xf32, #tpu.memory_space<vmem_shared>>
        tpu.wait_indirect_dma semaphore(%run_scoped3A : memref<!tpu.dma_semaphore, #tpu.memory_space<semaphore_mem>>) src(%arg10 : memref<128x128xf32, #tpu.memory_space<vmem>>) dst(%dma_wait3A_86 : memref<10240x128xf32, #tpu.memory_space<vmem_shared>>)
        tpu.yield
      }) : () -> ()
      %add3A_68 = arith.constant 3 : i32
      %add3A_69 = arith.addi %mul3A_48, %add3A_68 : i32
      %lt3A_70 = arith.constant 40 : i32
      %lt3A_71 = arith.cmpi slt, %add3A_69, %lt3A_70 : i32
      %convert_element_type3A_72 = arith.extui %lt3A_71 : i1 to i32
      %cond3A_73 = arith.constant 0 : i32
      %cond3A_74 = arith.cmpi ne, %convert_element_type3A_72, %cond3A_73 : i32
      scf.if %cond3A_74 {
        %add3A_75 = arith.constant 3 : i32
        %add3A_76 = arith.addi %mul3A_48, %add3A_75 : i32
        %dma_start3A_77 = arith.constant 0 : i32
        %dma_start3A_78 = tpu.memref_slice %arg7[%add3A_76, %dma_start3A_77] : memref<40x128xi32, #tpu.memory_space<vmem>> -> memref<1x128xi32, #tpu.memory_space<vmem>>
        %dma_start3A_79 = tpu.memref_squeeze %dma_start3A_78 : memref<1x128xi32, #tpu.memory_space<vmem>> -> memref<128xi32, #tpu.memory_space<vmem>>
        %dma_start3A_80 = arith.constant 0 : i32
        %dma_start3A_81 = arith.constant 0 : i32
        %dma_start3A_82 = tpu.memref_slice %arg2[%dma_start3A_80, %dma_start3A_81] : memref<10240x128xf32, #tpu.memory_space<hbm>> -> memref<10240x128xf32, #tpu.memory_space<hbm>>
        tpu.enqueue_indirect_dma source(%dma_start3A_82 : memref<10240x128xf32, #tpu.memory_space<hbm>>) target(%arg10 : memref<128x128xf32, #tpu.memory_space<vmem>>) offsets(%dma_start3A_79 : memref<128xi32, #tpu.memory_space<vmem>>) semaphore(%arg13 : memref<!tpu.dma_semaphore, #tpu.memory_space<semaphore_mem>>)
      } else {
      }
    }
    %scan3A_20 = arith.constant 20 : i32
    "tpu.region"() ({
      %run_scoped3A = tpu.sem_alloc : memref<!tpu.dma_semaphore, #tpu.memory_space<semaphore_mem>>
      %dma_start3A_46 = arith.constant 40 : i32
      %dma_start3A_47 = arith.constant 0 : i32
      %dma_start3A_48 = tpu.memref_slice %arg3[%add3A, %dma_start3A_46, %dma_start3A_47] : memref<32x80x128xi32, #tpu.memory_space<hbm>> -> memref<1x40x128xi32, #tpu.memory_space<hbm>>
      %dma_start3A_49 = tpu.memref_squeeze %dma_start3A_48 : memref<1x40x128xi32, #tpu.memory_space<hbm>> -> memref<40x128xi32, #tpu.memory_space<hbm>>
      %dma_start3A_50 = arith.constant 40 : i32
      %dma_start3A_51 = arith.constant 0 : i32
      %dma_start3A_52 = tpu.memref_slice %arg3[%add3A, %dma_start3A_50, %dma_start3A_51] : memref<32x80x128xi32, #tpu.memory_space<hbm>> -> memref<1x40x128xi32, #tpu.memory_space<hbm>>
      %dma_start3A_53 = tpu.memref_squeeze %dma_start3A_52 : memref<1x40x128xi32, #tpu.memory_space<hbm>> -> memref<40x128xi32, #tpu.memory_space<hbm>>
      tpu.enqueue_dma source(%dma_start3A_53 : memref<40x128xi32, #tpu.memory_space<hbm>>) target(%arg7 : memref<40x128xi32, #tpu.memory_space<vmem>>) target_semaphore(%run_scoped3A : memref<!tpu.dma_semaphore, #tpu.memory_space<semaphore_mem>>)
      %dma_wait3A = arith.constant 40 : i32
      %dma_wait3A_54 = arith.constant 0 : i32
      %dma_wait3A_55 = tpu.memref_slice %arg3[%add3A, %dma_wait3A, %dma_wait3A_54] : memref<32x80x128xi32, #tpu.memory_space<hbm>> -> memref<1x40x128xi32, #tpu.memory_space<hbm>>
      %dma_wait3A_56 = tpu.memref_squeeze %dma_wait3A_55 : memref<1x40x128xi32, #tpu.memory_space<hbm>> -> memref<40x128xi32, #tpu.memory_space<hbm>>
      %dma_wait3A_57 = arith.constant 40 : i32
      %dma_wait3A_58 = arith.constant 0 : i32
      %dma_wait3A_59 = tpu.memref_slice %arg3[%add3A, %dma_wait3A_57, %dma_wait3A_58] : memref<32x80x128xi32, #tpu.memory_space<hbm>> -> memref<1x40x128xi32, #tpu.memory_space<hbm>>
      %dma_wait3A_60 = tpu.memref_squeeze %dma_wait3A_59 : memref<1x40x128xi32, #tpu.memory_space<hbm>> -> memref<40x128xi32, #tpu.memory_space<hbm>>
      tpu.wait_dma2 semaphore(%run_scoped3A : memref<!tpu.dma_semaphore, #tpu.memory_space<semaphore_mem>>) src(%dma_wait3A_60 : memref<40x128xi32, #tpu.memory_space<hbm>>) dst(%arg7 : memref<40x128xi32, #tpu.memory_space<vmem>>)
      tpu.yield
    }) : () -> ()
    "tpu.region"() ({
      %run_scoped3A = tpu.sem_alloc : memref<!tpu.dma_semaphore, #tpu.memory_space<semaphore_mem>>
      %dma_start3A_46 = arith.constant 40 : i32
      %dma_start3A_47 = arith.constant 0 : i32
      %dma_start3A_48 = tpu.memref_slice %arg4[%add3A, %dma_start3A_46, %dma_start3A_47] : memref<32x80x128xi32, #tpu.memory_space<hbm>> -> memref<1x40x128xi32, #tpu.memory_space<hbm>>
      %dma_start3A_49 = tpu.memref_squeeze %dma_start3A_48 : memref<1x40x128xi32, #tpu.memory_space<hbm>> -> memref<40x128xi32, #tpu.memory_space<hbm>>
      %dma_start3A_50 = arith.constant 40 : i32
      %dma_start3A_51 = arith.constant 0 : i32
      %dma_start3A_52 = tpu.memref_slice %arg4[%add3A, %dma_start3A_50, %dma_start3A_51] : memref<32x80x128xi32, #tpu.memory_space<hbm>> -> memref<1x40x128xi32, #tpu.memory_space<hbm>>
      %dma_start3A_53 = tpu.memref_squeeze %dma_start3A_52 : memref<1x40x128xi32, #tpu.memory_space<hbm>> -> memref<40x128xi32, #tpu.memory_space<hbm>>
      tpu.enqueue_dma source(%dma_start3A_53 : memref<40x128xi32, #tpu.memory_space<hbm>>) target(%arg8 : memref<40x128xi32, #tpu.memory_space<vmem>>) target_semaphore(%run_scoped3A : memref<!tpu.dma_semaphore, #tpu.memory_space<semaphore_mem>>)
      %dma_wait3A = arith.constant 40 : i32
      %dma_wait3A_54 = arith.constant 0 : i32
      %dma_wait3A_55 = tpu.memref_slice %arg4[%add3A, %dma_wait3A, %dma_wait3A_54] : memref<32x80x128xi32, #tpu.memory_space<hbm>> -> memref<1x40x128xi32, #tpu.memory_space<hbm>>
      %dma_wait3A_56 = tpu.memref_squeeze %dma_wait3A_55 : memref<1x40x128xi32, #tpu.memory_space<hbm>> -> memref<40x128xi32, #tpu.memory_space<hbm>>
      %dma_wait3A_57 = arith.constant 40 : i32
      %dma_wait3A_58 = arith.constant 0 : i32
      %dma_wait3A_59 = tpu.memref_slice %arg4[%add3A, %dma_wait3A_57, %dma_wait3A_58] : memref<32x80x128xi32, #tpu.memory_space<hbm>> -> memref<1x40x128xi32, #tpu.memory_space<hbm>>
      %dma_wait3A_60 = tpu.memref_squeeze %dma_wait3A_59 : memref<1x40x128xi32, #tpu.memory_space<hbm>> -> memref<40x128xi32, #tpu.memory_space<hbm>>
      tpu.wait_dma2 semaphore(%run_scoped3A : memref<!tpu.dma_semaphore, #tpu.memory_space<semaphore_mem>>) src(%dma_wait3A_60 : memref<40x128xi32, #tpu.memory_space<hbm>>) dst(%arg8 : memref<40x128xi32, #tpu.memory_space<vmem>>)
      tpu.yield
    }) : () -> ()
    %dma_start3A_21 = arith.constant 0 : i32
    %dma_start3A_22 = arith.constant 0 : i32
    %dma_start3A_23 = tpu.memref_slice %arg7[%dma_start3A_21, %dma_start3A_22] : memref<40x128xi32, #tpu.memory_space<vmem>> -> memref<1x128xi32, #tpu.memory_space<vmem>>
    %dma_start3A_24 = tpu.memref_squeeze %dma_start3A_23 : memref<1x128xi32, #tpu.memory_space<vmem>> -> memref<128xi32, #tpu.memory_space<vmem>>
    %dma_start3A_25 = arith.constant 0 : i32
    %dma_start3A_26 = arith.constant 0 : i32
    %dma_start3A_27 = tpu.memref_slice %arg2[%dma_start3A_25, %dma_start3A_26] : memref<10240x128xf32, #tpu.memory_space<hbm>> -> memref<10240x128xf32, #tpu.memory_space<hbm>>
    tpu.enqueue_indirect_dma source(%dma_start3A_27 : memref<10240x128xf32, #tpu.memory_space<hbm>>) target(%arg9 : memref<128x128xf32, #tpu.memory_space<vmem>>) offsets(%dma_start3A_24 : memref<128xi32, #tpu.memory_space<vmem>>) semaphore(%arg12 : memref<!tpu.dma_semaphore, #tpu.memory_space<semaphore_mem>>)
    %dma_start3A_28 = arith.constant 1 : i32
    %dma_start3A_29 = arith.constant 0 : i32
    %dma_start3A_30 = tpu.memref_slice %arg7[%dma_start3A_28, %dma_start3A_29] : memref<40x128xi32, #tpu.memory_space<vmem>> -> memref<1x128xi32, #tpu.memory_space<vmem>>
    %dma_start3A_31 = tpu.memref_squeeze %dma_start3A_30 : memref<1x128xi32, #tpu.memory_space<vmem>> -> memref<128xi32, #tpu.memory_space<vmem>>
    %dma_start3A_32 = arith.constant 0 : i32
    %dma_start3A_33 = arith.constant 0 : i32
    %dma_start3A_34 = tpu.memref_slice %arg2[%dma_start3A_32, %dma_start3A_33] : memref<10240x128xf32, #tpu.memory_space<hbm>> -> memref<10240x128xf32, #tpu.memory_space<hbm>>
    tpu.enqueue_indirect_dma source(%dma_start3A_34 : memref<10240x128xf32, #tpu.memory_space<hbm>>) target(%arg10 : memref<128x128xf32, #tpu.memory_space<vmem>>) offsets(%dma_start3A_31 : memref<128xi32, #tpu.memory_space<vmem>>) semaphore(%arg13 : memref<!tpu.dma_semaphore, #tpu.memory_space<semaphore_mem>>)
    %scan3A_35 = arith.constant 0 : i32
    %scan3A_36 = arith.constant 0 : i32
    %scan3A_37 = arith.constant 20 : i32
    %scan3A_38 = arith.addi %scan3A_36, %scan3A_37 : i32
    %scan3A_39 = arith.constant 1 : i32
    scf.for %scan3A_46 = %scan3A_36 to %scan3A_38 step %scan3A_39  : i32 {
      %mul3A_47 = arith.constant 2 : i32
      %mul3A_48 = arith.muli %mul3A_47, %scan3A_46 : i32
      %dma_wait3A = arith.constant 0 : i32
      %dma_wait3A_49 = tpu.memref_slice %arg7[%mul3A_48, %dma_wait3A] : memref<40x128xi32, #tpu.memory_space<vmem>> -> memref<1x128xi32, #tpu.memory_space<vmem>>
      %dma_wait3A_50 = tpu.memref_squeeze %dma_wait3A_49 : memref<1x128xi32, #tpu.memory_space<vmem>> -> memref<128xi32, #tpu.memory_space<vmem>>
      %dma_wait3A_51 = arith.constant 0 : i32
      %dma_wait3A_52 = arith.constant 0 : i32
      %dma_wait3A_53 = tpu.memref_slice %arg2[%dma_wait3A_51, %dma_wait3A_52] : memref<10240x128xf32, #tpu.memory_space<hbm>> -> memref<10240x128xf32, #tpu.memory_space<hbm>>
      tpu.wait_indirect_dma semaphore(%arg12 : memref<!tpu.dma_semaphore, #tpu.memory_space<semaphore_mem>>) src(%dma_wait3A_53 : memref<10240x128xf32, #tpu.memory_space<hbm>>) dst(%arg9 : memref<128x128xf32, #tpu.memory_space<vmem>>)
      "tpu.region"() ({
        %run_scoped3A = tpu.sem_alloc : memref<!tpu.dma_semaphore, #tpu.memory_space<semaphore_mem>>
        %dma_start3A_75 = arith.constant 0 : i32
        %dma_start3A_76 = tpu.memref_slice %arg8[%mul3A_48, %dma_start3A_75] : memref<40x128xi32, #tpu.memory_space<vmem>> -> memref<1x128xi32, #tpu.memory_space<vmem>>
        %dma_start3A_77 = tpu.memref_squeeze %dma_start3A_76 : memref<1x128xi32, #tpu.memory_space<vmem>> -> memref<128xi32, #tpu.memory_space<vmem>>
        %dma_start3A_78 = arith.constant 0 : i32
        %dma_start3A_79 = arith.constant 0 : i32
        %dma_start3A_80 = tpu.memref_slice %arg11[%dma_start3A_78, %dma_start3A_79] : memref<10240x128xf32, #tpu.memory_space<vmem_shared>> -> memref<10240x128xf32, #tpu.memory_space<vmem_shared>>
        tpu.enqueue_indirect_dma source(%arg9 : memref<128x128xf32, #tpu.memory_space<vmem>>) target(%dma_start3A_80 : memref<10240x128xf32, #tpu.memory_space<vmem_shared>>) offsets(%dma_start3A_77 : memref<128xi32, #tpu.memory_space<vmem>>) semaphore(%run_scoped3A : memref<!tpu.dma_semaphore, #tpu.memory_space<semaphore_mem>>) {add = true}
        %dma_wait3A_81 = arith.constant 0 : i32
        %dma_wait3A_82 = tpu.memref_slice %arg8[%mul3A_48, %dma_wait3A_81] : memref<40x128xi32, #tpu.memory_space<vmem>> -> memref<1x128xi32, #tpu.memory_space<vmem>>
        %dma_wait3A_83 = tpu.memref_squeeze %dma_wait3A_82 : memref<1x128xi32, #tpu.memory_space<vmem>> -> memref<128xi32, #tpu.memory_space<vmem>>
        %dma_wait3A_84 = arith.constant 0 : i32
        %dma_wait3A_85 = arith.constant 0 : i32
        %dma_wait3A_86 = tpu.memref_slice %arg11[%dma_wait3A_84, %dma_wait3A_85] : memref<10240x128xf32, #tpu.memory_space<vmem_shared>> -> memref<10240x128xf32, #tpu.memory_space<vmem_shared>>
        tpu.wait_indirect_dma semaphore(%run_scoped3A : memref<!tpu.dma_semaphore, #tpu.memory_space<semaphore_mem>>) src(%arg9 : memref<128x128xf32, #tpu.memory_space<vmem>>) dst(%dma_wait3A_86 : memref<10240x128xf32, #tpu.memory_space<vmem_shared>>)
        tpu.yield
      }) : () -> ()
      %add3A_54 = arith.constant 2 : i32
      %add3A_55 = arith.addi %mul3A_48, %add3A_54 : i32
      %lt3A = arith.constant 40 : i32
      %lt3A_56 = arith.cmpi slt, %add3A_55, %lt3A : i32
      %convert_element_type3A = arith.extui %lt3A_56 : i1 to i32
      %cond3A = arith.constant 0 : i32
      %cond3A_57 = arith.cmpi ne, %convert_element_type3A, %cond3A : i32
      scf.if %cond3A_57 {
        %add3A_75 = arith.constant 2 : i32
        %add3A_76 = arith.addi %mul3A_48, %add3A_75 : i32
        %dma_start3A_77 = arith.constant 0 : i32
        %dma_start3A_78 = tpu.memref_slice %arg7[%add3A_76, %dma_start3A_77] : memref<40x128xi32, #tpu.memory_space<vmem>> -> memref<1x128xi32, #tpu.memory_space<vmem>>
        %dma_start3A_79 = tpu.memref_squeeze %dma_start3A_78 : memref<1x128xi32, #tpu.memory_space<vmem>> -> memref<128xi32, #tpu.memory_space<vmem>>
        %dma_start3A_80 = arith.constant 0 : i32
        %dma_start3A_81 = arith.constant 0 : i32
        %dma_start3A_82 = tpu.memref_slice %arg2[%dma_start3A_80, %dma_start3A_81] : memref<10240x128xf32, #tpu.memory_space<hbm>> -> memref<10240x128xf32, #tpu.memory_space<hbm>>
        tpu.enqueue_indirect_dma source(%dma_start3A_82 : memref<10240x128xf32, #tpu.memory_space<hbm>>) target(%arg9 : memref<128x128xf32, #tpu.memory_space<vmem>>) offsets(%dma_start3A_79 : memref<128xi32, #tpu.memory_space<vmem>>) semaphore(%arg12 : memref<!tpu.dma_semaphore, #tpu.memory_space<semaphore_mem>>)
      } else {
      }
      %add3A_58 = arith.constant 1 : i32
      %add3A_59 = arith.addi %mul3A_48, %add3A_58 : i32
      %dma_wait3A_60 = arith.constant 0 : i32
      %dma_wait3A_61 = tpu.memref_slice %arg7[%add3A_59, %dma_wait3A_60] : memref<40x128xi32, #tpu.memory_space<vmem>> -> memref<1x128xi32, #tpu.memory_space<vmem>>
      %dma_wait3A_62 = tpu.memref_squeeze %dma_wait3A_61 : memref<1x128xi32, #tpu.memory_space<vmem>> -> memref<128xi32, #tpu.memory_space<vmem>>
      %dma_wait3A_63 = arith.constant 0 : i32
      %dma_wait3A_64 = arith.constant 0 : i32
      %dma_wait3A_65 = tpu.memref_slice %arg2[%dma_wait3A_63, %dma_wait3A_64] : memref<10240x128xf32, #tpu.memory_space<hbm>> -> memref<10240x128xf32, #tpu.memory_space<hbm>>
      tpu.wait_indirect_dma semaphore(%arg13 : memref<!tpu.dma_semaphore, #tpu.memory_space<semaphore_mem>>) src(%dma_wait3A_65 : memref<10240x128xf32, #tpu.memory_space<hbm>>) dst(%arg10 : memref<128x128xf32, #tpu.memory_space<vmem>>)
      %add3A_66 = arith.constant 1 : i32
      %add3A_67 = arith.addi %mul3A_48, %add3A_66 : i32
      "tpu.region"() ({
        %run_scoped3A = tpu.sem_alloc : memref<!tpu.dma_semaphore, #tpu.memory_space<semaphore_mem>>
        %dma_start3A_75 = arith.constant 0 : i32
        %dma_start3A_76 = tpu.memref_slice %arg8[%add3A_67, %dma_start3A_75] : memref<40x128xi32, #tpu.memory_space<vmem>> -> memref<1x128xi32, #tpu.memory_space<vmem>>
        %dma_start3A_77 = tpu.memref_squeeze %dma_start3A_76 : memref<1x128xi32, #tpu.memory_space<vmem>> -> memref<128xi32, #tpu.memory_space<vmem>>
        %dma_start3A_78 = arith.constant 0 : i32
        %dma_start3A_79 = arith.constant 0 : i32
        %dma_start3A_80 = tpu.memref_slice %arg11[%dma_start3A_78, %dma_start3A_79] : memref<10240x128xf32, #tpu.memory_space<vmem_shared>> -> memref<10240x128xf32, #tpu.memory_space<vmem_shared>>
        tpu.enqueue_indirect_dma source(%arg10 : memref<128x128xf32, #tpu.memory_space<vmem>>) target(%dma_start3A_80 : memref<10240x128xf32, #tpu.memory_space<vmem_shared>>) offsets(%dma_start3A_77 : memref<128xi32, #tpu.memory_space<vmem>>) semaphore(%run_scoped3A : memref<!tpu.dma_semaphore, #tpu.memory_space<semaphore_mem>>) {add = true}
        %dma_wait3A_81 = arith.constant 0 : i32
        %dma_wait3A_82 = tpu.memref_slice %arg8[%add3A_67, %dma_wait3A_81] : memref<40x128xi32, #tpu.memory_space<vmem>> -> memref<1x128xi32, #tpu.memory_space<vmem>>
        %dma_wait3A_83 = tpu.memref_squeeze %dma_wait3A_82 : memref<1x128xi32, #tpu.memory_space<vmem>> -> memref<128xi32, #tpu.memory_space<vmem>>
        %dma_wait3A_84 = arith.constant 0 : i32
        %dma_wait3A_85 = arith.constant 0 : i32
        %dma_wait3A_86 = tpu.memref_slice %arg11[%dma_wait3A_84, %dma_wait3A_85] : memref<10240x128xf32, #tpu.memory_space<vmem_shared>> -> memref<10240x128xf32, #tpu.memory_space<vmem_shared>>
        tpu.wait_indirect_dma semaphore(%run_scoped3A : memref<!tpu.dma_semaphore, #tpu.memory_space<semaphore_mem>>) src(%arg10 : memref<128x128xf32, #tpu.memory_space<vmem>>) dst(%dma_wait3A_86 : memref<10240x128xf32, #tpu.memory_space<vmem_shared>>)
        tpu.yield
      }) : () -> ()
      %add3A_68 = arith.constant 3 : i32
      %add3A_69 = arith.addi %mul3A_48, %add3A_68 : i32
      %lt3A_70 = arith.constant 40 : i32
      %lt3A_71 = arith.cmpi slt, %add3A_69, %lt3A_70 : i32
      %convert_element_type3A_72 = arith.extui %lt3A_71 : i1 to i32
      %cond3A_73 = arith.constant 0 : i32
      %cond3A_74 = arith.cmpi ne, %convert_element_type3A_72, %cond3A_73 : i32
      scf.if %cond3A_74 {
        %add3A_75 = arith.constant 3 : i32
        %add3A_76 = arith.addi %mul3A_48, %add3A_75 : i32
        %dma_start3A_77 = arith.constant 0 : i32
        %dma_start3A_78 = tpu.memref_slice %arg7[%add3A_76, %dma_start3A_77] : memref<40x128xi32, #tpu.memory_space<vmem>> -> memref<1x128xi32, #tpu.memory_space<vmem>>
        %dma_start3A_79 = tpu.memref_squeeze %dma_start3A_78 : memref<1x128xi32, #tpu.memory_space<vmem>> -> memref<128xi32, #tpu.memory_space<vmem>>
        %dma_start3A_80 = arith.constant 0 : i32
        %dma_start3A_81 = arith.constant 0 : i32
        %dma_start3A_82 = tpu.memref_slice %arg2[%dma_start3A_80, %dma_start3A_81] : memref<10240x128xf32, #tpu.memory_space<hbm>> -> memref<10240x128xf32, #tpu.memory_space<hbm>>
        tpu.enqueue_indirect_dma source(%dma_start3A_82 : memref<10240x128xf32, #tpu.memory_space<hbm>>) target(%arg10 : memref<128x128xf32, #tpu.memory_space<vmem>>) offsets(%dma_start3A_79 : memref<128xi32, #tpu.memory_space<vmem>>) semaphore(%arg13 : memref<!tpu.dma_semaphore, #tpu.memory_space<semaphore_mem>>)
      } else {
      }
    }
    %scan3A_40 = arith.constant 20 : i32
    %barrier3A_41 = arith.constant 0 : index
    tpu.barrier barrier_id(%barrier3A_41)
    %mul3A_42 = arith.constant 640 : i32
    %mul3A_43 = arith.muli %arg1, %mul3A_42 : i32
    %mul3A_44 = arith.constant 640 : i32
    %mul3A_45 = arith.muli %arg1, %mul3A_44 : i32
    "tpu.region"() ({
      %run_scoped3A = tpu.sem_alloc : memref<!tpu.dma_semaphore, #tpu.memory_space<semaphore_mem>>
      %dma_start3A_46 = arith.constant 0 : i32
      %dma_start3A_47 = tpu.memref_slice %arg6[%arg0, %mul3A_45, %dma_start3A_46] : memref<2x10240x128xf32, #tpu.memory_space<hbm>> -> memref<1x640x128xf32, #tpu.memory_space<hbm>>
      %dma_start3A_48 = tpu.memref_squeeze %dma_start3A_47 : memref<1x640x128xf32, #tpu.memory_space<hbm>> -> memref<640x128xf32, #tpu.memory_space<hbm>>
      %dma_start3A_49 = arith.constant 0 : i32
      %dma_start3A_50 = tpu.memref_slice %arg11[%mul3A_43, %dma_start3A_49] : memref<10240x128xf32, #tpu.memory_space<vmem_shared>> -> memref<640x128xf32, #tpu.memory_space<vmem_shared>>
      tpu.enqueue_dma source(%dma_start3A_50 : memref<640x128xf32, #tpu.memory_space<vmem_shared>>) target(%dma_start3A_48 : memref<640x128xf32, #tpu.memory_space<hbm>>) target_semaphore(%run_scoped3A : memref<!tpu.dma_semaphore, #tpu.memory_space<semaphore_mem>>)
      %dma_wait3A = arith.constant 0 : i32
      %dma_wait3A_51 = tpu.memref_slice %arg6[%arg0, %mul3A_45, %dma_wait3A] : memref<2x10240x128xf32, #tpu.memory_space<hbm>> -> memref<1x640x128xf32, #tpu.memory_space<hbm>>
      %dma_wait3A_52 = tpu.memref_squeeze %dma_wait3A_51 : memref<1x640x128xf32, #tpu.memory_space<hbm>> -> memref<640x128xf32, #tpu.memory_space<hbm>>
      %dma_wait3A_53 = arith.constant 0 : i32
      %dma_wait3A_54 = tpu.memref_slice %arg11[%mul3A_43, %dma_wait3A_53] : memref<10240x128xf32, #tpu.memory_space<vmem_shared>> -> memref<640x128xf32, #tpu.memory_space<vmem_shared>>
      tpu.wait_dma2 semaphore(%run_scoped3A : memref<!tpu.dma_semaphore, #tpu.memory_space<semaphore_mem>>) src(%dma_wait3A_54 : memref<640x128xf32, #tpu.memory_space<vmem_shared>>) dst(%dma_wait3A_52 : memref<640x128xf32, #tpu.memory_space<hbm>>)
      tpu.yield
    }) : () -> ()
    return
  }
}

module attributes {stable_mosaic.version = 14 : i64} {
  func.func @_scale_body(%arg0: memref<2x10240x128xf32, #tpu.memory_space<vmem>>, %arg1: memref<10000x128xf32, #tpu.memory_space<vmem>>, %arg2: memref<128x128xf32, #tpu.memory_space<vmem>>, %arg3: memref<10240x128xf32, #tpu.memory_space<vmem>>, %arg4: memref<10240x1xf32, #tpu.memory_space<vmem>>) attributes {dimension_semantics = [], scalar_prefetch = 0 : i64, scratch_operands = 0 : i64, tpu.core_type = #tpu.core_type<tc>} {
    %get3A = arith.constant 0 : index
    %get3A_0 = arith.constant 0 : index
    %get3A_1 = arith.constant 0 : index
    %get3A_2 = vector.load %arg0[%get3A, %get3A_0, %get3A_1] : memref<2x10240x128xf32, #tpu.memory_space<vmem>>, vector<1x10240x1xf32>
    %get3A_3 = vector.shape_cast %get3A_2 : vector<1x10240x1xf32> to vector<10240x1xf32>
    %add3A = arith.constant 1.000000e+00 : f32
    %add3A_4 = vector.broadcast %add3A : f32 to vector<10240x1xf32>
    %add3A_5 = arith.addf %add3A_4, %get3A_3 : vector<10240x1xf32>
    %get3A_6 = arith.constant 1 : index
    %get3A_7 = arith.constant 0 : index
    %get3A_8 = arith.constant 0 : index
    %get3A_9 = vector.load %arg0[%get3A_6, %get3A_7, %get3A_8] : memref<2x10240x128xf32, #tpu.memory_space<vmem>>, vector<1x10240x1xf32>
    %get3A_10 = vector.shape_cast %get3A_9 : vector<1x10240x1xf32> to vector<10240x1xf32>
    %add3A_11 = arith.addf %add3A_5, %get3A_10 : vector<10240x1xf32>
    %rsqrt3A = math.rsqrt %add3A_11 : vector<10240x1xf32>
    %get3A_12 = arith.constant 0 : index
    %get3A_13 = arith.constant 0 : index
    %get3A_14 = vector.load %arg1[%get3A_12, %get3A_13] : memref<10000x128xf32, #tpu.memory_space<vmem>>, vector<10000x128xf32>
    %get3A_15 = arith.constant 0 : index
    %get3A_16 = arith.constant 0 : index
    %get3A_17 = vector.load %arg2[%get3A_15, %get3A_16] : memref<128x128xf32, #tpu.memory_space<vmem>>, vector<128x128xf32>
    %dot_general3A = arith.constant dense<0.000000e+00> : vector<10000x128xf32>
    %dot_general3A_18 = tpu.matmul %get3A_14, %get3A_17, %dot_general3A {dimension_numbers = #tpu.dot_dimension_numbers<[1], [0], [0], [1], [0, 0, 1, 1], [], []>, transpose_lhs_hint = false} : vector<10000x128xf32>, vector<128x128xf32>, vector<10000x128xf32> -> vector<10000x128xf32>
    %slice3A = vector.extract_strided_slice %rsqrt3A {offsets = [0, 0], sizes = [10000, 1], strides = [1, 1]} : vector<10240x1xf32> to vector<10000x1xf32>
    %mul3A = vector.broadcast %slice3A : vector<10000x1xf32> to vector<10000x128xf32>
    %mul3A_19 = arith.mulf %mul3A, %dot_general3A_18 : vector<10000x128xf32>
    %swap3A = arith.constant 0 : index
    %swap3A_20 = arith.constant 0 : index
    %swap3A_21 = vector.load %arg3[%swap3A, %swap3A_20] : memref<10240x128xf32, #tpu.memory_space<vmem>>, vector<10000x128xf32>
    tpu.vector_store %arg3[%swap3A, %swap3A_20], %mul3A_19 {strides = array<i32>} : memref<10240x128xf32, #tpu.memory_space<vmem>>, vector<10000x128xf32>,
    %broadcast_in_dim3A = arith.constant 0.000000e+00 : f32
    %broadcast_in_dim3A_22 = vector.broadcast %broadcast_in_dim3A : f32 to vector<240x128xf32>
    %swap3A_23 = arith.constant 10000 : index
    %swap3A_24 = arith.constant 0 : index
    %swap3A_25 = vector.load %arg3[%swap3A_23, %swap3A_24] : memref<10240x128xf32, #tpu.memory_space<vmem>>, vector<240x128xf32>
    tpu.vector_store %arg3[%swap3A_23, %swap3A_24], %broadcast_in_dim3A_22 {strides = array<i32>} : memref<10240x128xf32, #tpu.memory_space<vmem>>, vector<240x128xf32>,
    %swap3A_26 = arith.constant 0 : index
    %swap3A_27 = arith.constant 0 : index
    %swap3A_28 = vector.load %arg4[%swap3A_26, %swap3A_27] : memref<10240x1xf32, #tpu.memory_space<vmem>>, vector<10240x1xf32>
    tpu.vector_store %arg4[%swap3A_26, %swap3A_27], %rsqrt3A {strides = array<i32>} : memref<10240x1xf32, #tpu.memory_space<vmem>>, vector<10240x1xf32>,
    return
  }
}

module attributes {stable_mosaic.version = 14 : i64} {
  func.func @_layer_body(%arg0: memref<2x10240x128xf32, #tpu.memory_space<vmem>>, %arg1: memref<10240x128xf32, #tpu.memory_space<vmem>>, %arg2: memref<10240x1xf32, #tpu.memory_space<vmem>>, %arg3: memref<1x128xf32, #tpu.memory_space<vmem>>, %arg4: memref<128x128xf32, #tpu.memory_space<vmem>>, %arg5: memref<10240x128xf32, #tpu.memory_space<vmem>>) attributes {dimension_semantics = [], scalar_prefetch = 0 : i64, scratch_operands = 0 : i64, tpu.core_type = #tpu.core_type<tc>} {
    %get3A = arith.constant 0 : index
    %get3A_0 = arith.constant 0 : index
    %get3A_1 = arith.constant 0 : index
    %get3A_2 = vector.load %arg0[%get3A, %get3A_0, %get3A_1] : memref<2x10240x128xf32, #tpu.memory_space<vmem>>, vector<1x10240x128xf32>
    %get3A_3 = vector.shape_cast %get3A_2 : vector<1x10240x128xf32> to vector<10240x128xf32>
    %get3A_4 = arith.constant 1 : index
    %get3A_5 = arith.constant 0 : index
    %get3A_6 = arith.constant 0 : index
    %get3A_7 = vector.load %arg0[%get3A_4, %get3A_5, %get3A_6] : memref<2x10240x128xf32, #tpu.memory_space<vmem>>, vector<1x10240x128xf32>
    %get3A_8 = vector.shape_cast %get3A_7 : vector<1x10240x128xf32> to vector<10240x128xf32>
    %add3A = arith.addf %get3A_3, %get3A_8 : vector<10240x128xf32>
    %get3A_9 = arith.constant 0 : index
    %get3A_10 = arith.constant 0 : index
    %get3A_11 = vector.load %arg1[%get3A_9, %get3A_10] : memref<10240x128xf32, #tpu.memory_space<vmem>>, vector<10240x128xf32>
    %add3A_12 = arith.addf %add3A, %get3A_11 : vector<10240x128xf32>
    %get3A_13 = arith.constant 0 : index
    %get3A_14 = arith.constant 0 : index
    %get3A_15 = vector.load %arg2[%get3A_13, %get3A_14] : memref<10240x1xf32, #tpu.memory_space<vmem>>, vector<10240x1xf32>
    %mul3A = vector.broadcast %get3A_15 : vector<10240x1xf32> to vector<10240x128xf32>
    %mul3A_16 = arith.mulf %mul3A, %add3A_12 : vector<10240x128xf32>
    %get3A_17 = arith.constant 0 : index
    %get3A_18 = arith.constant 0 : index
    %get3A_19 = vector.load %arg3[%get3A_17, %get3A_18] : memref<1x128xf32, #tpu.memory_space<vmem>>, vector<1x128xf32>
    %add3A_20 = vector.broadcast %get3A_19 : vector<1x128xf32> to vector<10240x128xf32>
    %add3A_21 = arith.addf %mul3A_16, %add3A_20 : vector<10240x128xf32>
    %max3A = arith.constant 0.000000e+00 : f32
    %max3A_22 = vector.broadcast %max3A : f32 to vector<10240x128xf32>
    %max3A_23 = arith.maximumf %add3A_21, %max3A_22 : vector<10240x128xf32>
    %get3A_24 = arith.constant 0 : index
    %get3A_25 = arith.constant 0 : index
    %get3A_26 = vector.load %arg2[%get3A_24, %get3A_25] : memref<10240x1xf32, #tpu.memory_space<vmem>>, vector<10240x1xf32>
    %get3A_27 = arith.constant 0 : index
    %get3A_28 = arith.constant 0 : index
    %get3A_29 = vector.load %arg4[%get3A_27, %get3A_28] : memref<128x128xf32, #tpu.memory_space<vmem>>, vector<128x128xf32>
    %dot_general3A = arith.constant dense<0.000000e+00> : vector<10240x128xf32>
    %dot_general3A_30 = tpu.matmul %max3A_23, %get3A_29, %dot_general3A {dimension_numbers = #tpu.dot_dimension_numbers<[1], [0], [0], [1], [0, 0, 1, 1], [], []>, transpose_lhs_hint = false} : vector<10240x128xf32>, vector<128x128xf32>, vector<10240x128xf32> -> vector<10240x128xf32>
    %mul3A_31 = vector.broadcast %get3A_26 : vector<10240x1xf32> to vector<10240x128xf32>
    %mul3A_32 = arith.mulf %mul3A_31, %dot_general3A_30 : vector<10240x128xf32>
    %swap3A = arith.constant 0 : index
    %swap3A_33 = arith.constant 0 : index
    %swap3A_34 = vector.load %arg5[%swap3A, %swap3A_33] : memref<10240x128xf32, #tpu.memory_space<vmem>>, vector<10240x128xf32>
    tpu.vector_store %arg5[%swap3A, %swap3A_33], %mul3A_32 {strides = array<i32>} : memref<10240x128xf32, #tpu.memory_space<vmem>>, vector<10240x128xf32>,
    return
  }
}

module attributes {stable_mosaic.version = 14 : i64} {
  func.func @_head_body(%arg0: memref<2x10240x128xf32, #tpu.memory_space<vmem>>, %arg1: memref<10240x128xf32, #tpu.memory_space<vmem>>, %arg2: memref<10240x1xf32, #tpu.memory_space<vmem>>, %arg3: memref<1x128xf32, #tpu.memory_space<vmem>>, %arg4: memref<1x10000xi32, #tpu.memory_space<vmem>>, %arg5: memref<128x128xf32, #tpu.memory_space<vmem>>, %arg6: memref<1x128xf32, #tpu.memory_space<vmem>>, %arg7: memref<128x128xf32, #tpu.memory_space<vmem>>, %arg8: memref<1x128xf32, #tpu.memory_space<vmem>>, %arg9: memref<64x128xf32, #tpu.memory_space<vmem>>) attributes {dimension_semantics = [], scalar_prefetch = 0 : i64, scratch_operands = 0 : i64, tpu.core_type = #tpu.core_type<tc>} {
    %get3A = arith.constant 0 : index
    %get3A_0 = arith.constant 0 : index
    %get3A_1 = arith.constant 0 : index
    %get3A_2 = vector.load %arg0[%get3A, %get3A_0, %get3A_1] : memref<2x10240x128xf32, #tpu.memory_space<vmem>>, vector<1x10240x128xf32>
    %get3A_3 = vector.shape_cast %get3A_2 : vector<1x10240x128xf32> to vector<10240x128xf32>
    %get3A_4 = arith.constant 1 : index
    %get3A_5 = arith.constant 0 : index
    %get3A_6 = arith.constant 0 : index
    %get3A_7 = vector.load %arg0[%get3A_4, %get3A_5, %get3A_6] : memref<2x10240x128xf32, #tpu.memory_space<vmem>>, vector<1x10240x128xf32>
    %get3A_8 = vector.shape_cast %get3A_7 : vector<1x10240x128xf32> to vector<10240x128xf32>
    %add3A = arith.addf %get3A_3, %get3A_8 : vector<10240x128xf32>
    %get3A_9 = arith.constant 0 : index
    %get3A_10 = arith.constant 0 : index
    %get3A_11 = vector.load %arg1[%get3A_9, %get3A_10] : memref<10240x128xf32, #tpu.memory_space<vmem>>, vector<10240x128xf32>
    %add3A_12 = arith.addf %add3A, %get3A_11 : vector<10240x128xf32>
    %get3A_13 = arith.constant 0 : index
    %get3A_14 = arith.constant 0 : index
    %get3A_15 = vector.load %arg2[%get3A_13, %get3A_14] : memref<10240x1xf32, #tpu.memory_space<vmem>>, vector<10240x1xf32>
    %mul3A = vector.broadcast %get3A_15 : vector<10240x1xf32> to vector<10240x128xf32>
    %mul3A_16 = arith.mulf %mul3A, %add3A_12 : vector<10240x128xf32>
    %get3A_17 = arith.constant 0 : index
    %get3A_18 = arith.constant 0 : index
    %get3A_19 = vector.load %arg3[%get3A_17, %get3A_18] : memref<1x128xf32, #tpu.memory_space<vmem>>, vector<1x128xf32>
    %add3A_20 = vector.broadcast %get3A_19 : vector<1x128xf32> to vector<10240x128xf32>
    %add3A_21 = arith.addf %mul3A_16, %add3A_20 : vector<10240x128xf32>
    %max3A = arith.constant 0.000000e+00 : f32
    %max3A_22 = vector.broadcast %max3A : f32 to vector<10240x128xf32>
    %max3A_23 = arith.maximumf %add3A_21, %max3A_22 : vector<10240x128xf32>
    %slice3A = vector.extract_strided_slice %max3A_23 {offsets = [0, 0], sizes = [10000, 128], strides = [1, 1]} : vector<10240x128xf32> to vector<10000x128xf32>
    %iota3A = tpu.iota {dimensions = array<i32: 0>} : vector<64x10000xi32>
    %get3A_24 = arith.constant 0 : index
    %get3A_25 = arith.constant 0 : index
    %get3A_26 = vector.load %arg4[%get3A_24, %get3A_25] : memref<1x10000xi32, #tpu.memory_space<vmem>>, vector<1x10000xi32>
    %eq3A = vector.broadcast %get3A_26 : vector<1x10000xi32> to vector<64x10000xi32>
    %eq3A_27 = arith.cmpi eq, %iota3A, %eq3A : vector<64x10000xi32>
    %convert_element_type3A = arith.extui %eq3A_27 : vector<64x10000xi1> to vector<64x10000xi32>
    %convert_element_type3A_28 = arith.sitofp %convert_element_type3A : vector<64x10000xi32> to vector<64x10000xf32>
    %dot_general3A = arith.constant dense<0.000000e+00> : vector<64x128xf32>
    %dot_general3A_29 = tpu.matmul %convert_element_type3A_28, %slice3A, %dot_general3A {dimension_numbers = #tpu.dot_dimension_numbers<[1], [0], [0], [1], [0, 0, 1, 1], [], []>, transpose_lhs_hint = false} : vector<64x10000xf32>, vector<10000x128xf32>, vector<64x128xf32> -> vector<64x128xf32>
    %reduce_sum3A = arith.constant dense<0.000000e+00> : vector<64xf32>
    %reduce_sum3A_30 = vector.multi_reduction <add>, %convert_element_type3A_28, %reduce_sum3A [1] : vector<64x10000xf32> to vector<64xf32>
    %broadcast_in_dim3A = vector.shape_cast %reduce_sum3A_30 : vector<64xf32> to vector<64x1xf32>
    %max3A_31 = arith.constant 1.000000e+00 : f32
    %max3A_32 = vector.broadcast %max3A_31 : f32 to vector<64x1xf32>
    %max3A_33 = arith.maximumf %broadcast_in_dim3A, %max3A_32 : vector<64x1xf32>
    %div3A = vector.broadcast %max3A_33 : vector<64x1xf32> to vector<64x128xf32>
    %div3A_34 = arith.divf %dot_general3A_29, %div3A : vector<64x128xf32>
    %get3A_35 = arith.constant 0 : index
    %get3A_36 = arith.constant 0 : index
    %get3A_37 = vector.load %arg5[%get3A_35, %get3A_36] : memref<128x128xf32, #tpu.memory_space<vmem>>, vector<128x128xf32>
    %dot_general3A_38 = arith.constant dense<0.000000e+00> : vector<64x128xf32>
    %dot_general3A_39 = tpu.matmul %div3A_34, %get3A_37, %dot_general3A_38 {dimension_numbers = #tpu.dot_dimension_numbers<[1], [0], [0], [1], [0, 0, 1, 1], [], []>, transpose_lhs_hint = false} : vector<64x128xf32>, vector<128x128xf32>, vector<64x128xf32> -> vector<64x128xf32>
    %get3A_40 = arith.constant 0 : index
    %get3A_41 = arith.constant 0 : index
    %get3A_42 = vector.load %arg6[%get3A_40, %get3A_41] : memref<1x128xf32, #tpu.memory_space<vmem>>, vector<1x128xf32>
    %add3A_43 = vector.broadcast %get3A_42 : vector<1x128xf32> to vector<64x128xf32>
    %add3A_44 = arith.addf %dot_general3A_39, %add3A_43 : vector<64x128xf32>
    %max3A_45 = arith.constant 0.000000e+00 : f32
    %max3A_46 = vector.broadcast %max3A_45 : f32 to vector<64x128xf32>
    %max3A_47 = arith.maximumf %add3A_44, %max3A_46 : vector<64x128xf32>
    %get3A_48 = arith.constant 0 : index
    %get3A_49 = arith.constant 0 : index
    %get3A_50 = vector.load %arg7[%get3A_48, %get3A_49] : memref<128x128xf32, #tpu.memory_space<vmem>>, vector<128x128xf32>
    %dot_general3A_51 = arith.constant dense<0.000000e+00> : vector<64x128xf32>
    %dot_general3A_52 = tpu.matmul %max3A_47, %get3A_50, %dot_general3A_51 {dimension_numbers = #tpu.dot_dimension_numbers<[1], [0], [0], [1], [0, 0, 1, 1], [], []>, transpose_lhs_hint = false} : vector<64x128xf32>, vector<128x128xf32>, vector<64x128xf32> -> vector<64x128xf32>
    %get3A_53 = arith.constant 0 : index
    %get3A_54 = arith.constant 0 : index
    %get3A_55 = vector.load %arg8[%get3A_53, %get3A_54] : memref<1x128xf32, #tpu.memory_space<vmem>>, vector<1x128xf32>
    %add3A_56 = vector.broadcast %get3A_55 : vector<1x128xf32> to vector<64x128xf32>
    %add3A_57 = arith.addf %dot_general3A_52, %add3A_56 : vector<64x128xf32>
    %swap3A = arith.constant 0 : index
    %swap3A_58 = arith.constant 0 : index
    %swap3A_59 = vector.load %arg9[%swap3A, %swap3A_58] : memref<64x128xf32, #tpu.memory_space<vmem>>, vector<64x128xf32>
    tpu.vector_store %arg9[%swap3A, %swap3A_58], %add3A_57 {strides = array<i32>} : memref<64x128xf32, #tpu.memory_space<vmem>>, vector<64x128xf32>,
    return
  }
}

</mosaic_0001>

<sc_bundles>
// kernel: kernel.11.cloned.1.call-start
scs
__scs_entry_jumppad:
0x0: {  	(pc) =	sbr.rel $0x88, $3  }
0x1: {  	(tag) =	ssettag $0x0;
	lr =	simm.s32 $0x1  }
0x2: {  	[smem:$0x3F96] =	sst lr;
	_ =	strace $0xD0000000  }
0x3: {  	_ = 	snop  }
0x4: {  	_ = 	snop  }
0x5: {  	_ = 	snop  }
0x6: {  	_ = 	snop  }
0x7: {  	_ = 	snop  }
__scs_overlays_trampoline_lowered:
0x8: {  	[smem:$0x3FA5] =	sst s0  }
0x9: {  	[smem:$0x3FA6] =	sst s1  }
0xa: {  	[smem:$0x3FA7] =	sst s2  }
0xb: {  	[smem:$0x3FA8] =	sst s3  }
0xc: {  	[smem:$0x3FA9] =	sst s4  }
0xd: {  	[smem:$0x3FAA] =	sst s5  }
0xe: {  	[smem:$0x3FAB] =	sst s6  }
0xf: {  	[smem:$0x3FAC] =	sst s7  }
0x10: {  	[smem:$0x3FAD] =	sst s8  }
0x11: {  	[smem:$0x3FAE] =	sst s9;
	s0 =	simm.s32 @!p0 $0x0  }
0x12: {  	s1 =	sld [smem:$0x3F94];
	s0 =	simm.s32 @p0 $0x1  }
0x13: {  	[smem:$0x3FAF] =	sst s0;
	s0 =	simm.s32 @!p1 $0x0  }
0x14: {  	s2 =	sld [smem:$0x3F93];
	s0 =	simm.s32 @p1 $0x1  }
0x15: {  	[smem:$0x3FB0] =	sst s0;
	s0 =	simm.s32 @!p2 $0x0  }
0x16: {  	s3 =	sld [smem:$0x3FDB];
	s0 =	simm.s32 @p2 $0x1  }
0x17: {  	s4 =	simm.s32 $0x1BF5;
	[smem:$0x3FB2] =	sst s0  }
0x18: {  	s0 =	sld [smem:$0x3F95];
	_ =	swait.ge [sflag:s4], $0x0  }
0x19: {  	s7 =	sld [smem:$0x3F96]  }
0x1a: {  	s8 =	sadd.s32 $0xFFFFE003, lr  }
0x1b: {  	s9 =	sadd.s32 $0xFFFFFEF7, lr;
	s5 =	simm.s32 $0xFFFFFFFF;
	p2 =	slt.u32 s8, $0xFFFFF086  }
0x1c: {  	p1 =	slt.u32 s9, $0xF7A;
	s5 =	simm.s32 @!p2 $0x0  }
0x1d: {  	s5 =	simm.s32 @p1 $0x1;
	p0 =	seq.s32 s7, s2  }
0x1e: {  	s7 =	smul.u32 @!p0 $0xF7A, s2;
	p2 =	seq.s32 @!p0 s5, $0x0  }
0x1f: {  	s9 =	smul.u32 $0xF7A, s1;
	s8 =	simm.s32 @!p0 $0x1BF5;
	p2 =	por !p2, p0  }
0x20: {  	[sflag:s8] =	ssyncset.s32 @!p0 $0xFFFFF086;
	s6 =	sadd.s32 @!p0 s3, s7;
	s7 =	simm.s32 @!p0 $0x108  }
0x21: {  	s3 =	sadd.s32 s3, s9;
	s6 =	sadd.s32 @!p0 $0x88, s6;
	s7 =	simm.s32 @p2 $0x1082  }
0x22: {  	[simem:s7], [sflag:s8] =	dma.local @!p0 [hbm:s6], $0xF7A  }
0x23: {  	s9 =	sor.u32 $0xD0000000, s2;
	s6 =	simm.s32 $0x108;
	_ =	swait.ge @!p0 [sflag:s8], $0x0  }
0x24: {  	s3 =	sadd.s32 $0x88, s3;
	s6 =	simm.s32 @!p1 $0x1082;
	[sflag:s4] =	ssyncset.s32 $0xFFFFF086  }
0x25: {  	[simem:s6], [sflag:s4] =	dma.local [hbm:s3], $0xF7A  }
0x26: {  	[smem:$0x3F96] =	sst s1;
	(tag) =	ssettag s2;
	_ =	strace s9  }
0x27: {  	s1 =	sld [smem:$0x3FA6]  }
0x28: {  	s2 =	sld [smem:$0x3FA7]  }
0x29: {  	s4 =	sld [smem:$0x3FA9]  }
0x2a: {  	p0 =	seq.s32 s5, $0x0;
	s5 =	sld [smem:$0x3FAA]  }
0x2b: {  	s6 =	sld [smem:$0x3FAB]  }
0x2c: {  	s7 =	sld [smem:$0x3FAC]  }
0x2d: {  	s3 =	simm.s32 $0x108;
	s8 =	sld [smem:$0x3FAD]  }
0x2e: {  	s3 =	simm.s32 @!p0 $0x1082;
	s9 =	sld [smem:$0x3FAE]  }
0x2f: {  	lr =	sadd.s32 s0, s3;
	s0 =	sld [smem:$0x3FA5]  }
0x30: {  	s3 =	sld [smem:$0x3FA8]  }
0x31: {  	[smem:$0x3FB1] =	sst s10  }
0x32: {  	s10 =	sld [smem:$0x3FAF];
	_ =	sdelay $0x3  }
0x33: {  	p0 =	seq.s32 s10, $0x1;
	s10 =	sld [smem:$0x3FB1];
	_ =	sdelay $0x3  }
0x34: {  	[smem:$0x3FB1] =	sst s10  }
0x35: {  	s10 =	sld [smem:$0x3FB0];
	_ =	sdelay $0x3  }
0x36: {  	p1 =	seq.s32 s10, $0x1;
	s10 =	sld [smem:$0x3FB1];
	_ =	sdelay $0x3  }
0x37: {  	[smem:$0x3FB1] =	sst s10  }
0x38: {  	s10 =	sld [smem:$0x3FB2]  }
0x39: {  	_ = 	snop;
	(pc) =	sbr.ind lr, $3  }
0x3a: {  	_ = 	snop  }
0x3b: {  	_ = 	snop  }
0x3c: {  	p2 =	seq.s32 s10, $0x1;
	s10 =	sld [smem:$0x3FB1]  }
0x3d: {  	_ =	shalt  }
0x3e: {  	_ =	shalt  }
0x3f: {  	_ =	shalt  }
0x40: {  	_ =	shalt  }
0x41: {  	_ =	shalt  }
0x42: {  	_ =	shalt  }
0x43: {  	_ =	shalt  }
0x44: {  	_ =	shalt  }
0x45: {  	_ =	shalt  }
0x46: {  	_ =	shalt  }
0x47: {  	_ =	shalt  }
0x48: {  	_ =	shalt  }
0x49: {  	_ =	shalt  }
0x4a: {  	_ =	shalt  }
0x4b: {  	_ =	shalt  }
0x4c: {  	_ =	shalt  }
0x4d: {  	_ =	shalt  }
0x4e: {  	_ =	shalt  }
0x4f: {  	_ =	shalt  }
0x50: {  	_ =	shalt  }
0x51: {  	_ =	shalt  }
0x52: {  	_ =	shalt  }
0x53: {  	_ =	shalt  }
0x54: {  	_ =	shalt  }
0x55: {  	_ =	shalt  }
0x56: {  	_ =	shalt  }
0x57: {  	_ =	shalt  }
0x58: {  	_ =	shalt  }
0x59: {  	_ =	shalt  }
0x5a: {  	_ =	shalt  }
0x5b: {  	_ =	shalt  }
0x5c: {  	_ =	shalt  }
0x5d: {  	_ =	shalt  }
0x5e: {  	_ =	shalt  }
0x5f: {  	_ =	shalt  }
0x60: {  	_ =	shalt  }
0x61: {  	_ =	shalt  }
0x62: {  	_ =	shalt  }
0x63: {  	_ =	shalt  }
0x64: {  	_ =	shalt  }
0x65: {  	_ =	shalt  }
0x66: {  	_ =	shalt  }
0x67: {  	_ =	shalt  }
0x68: {  	_ =	shalt  }
0x69: {  	_ =	shalt  }
0x6a: {  	_ =	shalt  }
0x6b: {  	_ =	shalt  }
0x6c: {  	_ =	shalt  }
0x6d: {  	_ =	shalt  }
0x6e: {  	_ =	shalt  }
0x6f: {  	_ =	shalt  }
0x70: {  	_ =	shalt  }
0x71: {  	_ =	shalt  }
0x72: {  	_ =	shalt  }
0x73: {  	_ =	shalt  }
0x74: {  	_ =	shalt  }
0x75: {  	_ =	shalt  }
0x76: {  	_ =	shalt  }
0x77: {  	_ =	shalt  }
0x78: {  	_ =	shalt  }
0x79: {  	_ =	shalt  }
0x7a: {  	_ =	shalt  }
0x7b: {  	_ =	shalt  }
0x7c: {  	_ =	shalt  }
0x7d: {  	_ =	shalt  }
0x7e: {  	_ =	shalt  }
0x7f: {  	_ =	shalt  }
0x80: {  	_ =	shalt  }
0x81: {  	_ =	shalt  }
0x82: {  	_ =	shalt  }
0x83: {  	_ =	shalt  }
0x84: {  	_ =	shalt  }
0x85: {  	_ =	shalt  }
0x86: {  	_ =	shalt  }
0x87: {  	_ =	shalt  }
.Lfunc_end0:
.L_simem_size_0:
called_computation.1_lowered:
.L_overlay_start_0:
0x88: {  	s2 =	sld [smem:$0x3FD9]  }
0x89: {  	s3 =	sld [smem:$0x3FFE];
	_ =	sdelay $0x1  }
0x8a: {  	s1 =	srdreg.scid  }
0x8b: {  	s0 =	sand.u32 $0x1, s1  }
0x8c: {  	s16 =	sshll.u32 s0, $0xA;
	s2 =	sadd.s32 s3, s2  }
0x8d: {  	s2 =	sadd.s32 s2, s16  }
0x8e: {  	[smem:$0x3FBD] =	sst s2  }
0x8f: {  	_ = 	snop  }
0x90: {  	(tm) =	ssettm $0x1  }
0x91: {  	s17 =	sld [smem:$0x3FFB];
	_ =	sdelay $0x3  }
0x92: {  	_ =	strace s17  }
0x93: {  	s2 =	sld [smem:$0x3FFC];
	_ =	sdelay $0x3  }
0x94: {  	_ =	strace s2  }
0x95: {  	s2 =	sld [smem:$0x3FFD];
	_ =	sdelay $0x3  }
0x96: {  	_ =	strace s2  }
0x97: {  	_ =	strace $0x8FFFFFFF  }
0x98: {  	s18 =	sld [smem:$0x3FDB];
	_ =	sdelay $0x1  }
0x99: {  	s19 =	simm.s32 $_scs_section_size  }
0x9a: {  	s4 =	simm.s32 $_size__tile_overlayer_lowered;
	s5 =	simm.s32 $_tile_overlayer_lowered  }
0x9b: {  	s22 =	simm.s32 $0x1BFF;
	s21 =	sshll.u32 s5, $0x1;
	s2 =	sadd.s32 s19, s18  }
0x9c: {  	s6 =	simm.s32 $0x0;
	s20 =	sshll.u32 s4, $0x1;
	s4 =	sadd.s32 s21, s2  }
0x9d: {  	[timem:s6], [sflag:s22] =	dma.local [hbm:s4], s20  }
0x9e: {  	_ =	swait.ge [sflag:s22], s20  }
0x9f: {  	s3 =	ssub.s32 $0x0, s20;
	[sflag:s22] =	ssyncset.done $0x0  }
0xa0: {  	[sflag:s22] =	ssyncadd.s32 s3;
	_ =	sdelay $0x1  }
0xa1: {  	s23 =	simm.s32 $0x1B8B  }
0xa2: {  	_ =	swait.ge [sflag:s23], $0x1  }
0xa3: {  	[sflag:s23] =	ssyncset.done $0x0  }
0xa4: {  	s25 =	simm.s32 $0x1B8E;
	s24 =	sld [smem:$0x3FFE];
	[sflag:s23] =	ssyncadd.s32 $0xFFFFFFFF  }
0xa5: {  	s26 =	simm.s32 $execute0_lowered;
	[smem:$0x3FD2] =	sst s25  }
0xa6: {  	s4 =	sshll.u32 s26, $0x1;
	_ =	strace $0x80000049;
	[dreg:$0x1] =	wrdreg $0xFFFFFFFF  }
0xa7: {  	s28 =	simm.s32 $_size_execute0_lowered;
	s2 =	sadd.s32 s2, s4;
	[dreg:$0x0] =	wrdreg $0x0  }
0xa8: {  	s4 =	sshll.u32 s28, $0x1;
	[dreg:$0x2] =	wrdreg s2  }
0xa9: {  	[dreg:$0x3] =	wrdreg s4  }
0xaa: {  	[dreg:$0x4] =	wrdreg $0xC0  }
0xab: {  	_ =	task [dreg:s6], $0x5FFFF  }
0xac: {  	[dreg:$0x1] =	wrdreg $0xFFFFFFFF  }
0xad: {  	[dreg:$0x0] =	wrdreg $0x60  }
0xae: {  	[dreg:$0x2] =	wrdreg s24  }
0xaf: {  	[dreg:$0x3] =	wrdreg $0xA8000  }
0xb0: {  	[dreg:$0x4] =	wrdreg $0x9  }
0xb1: {  	_ =	task.clear_ibuf [dreg:s6], $0x5FFFF;
	_ =	strace $0x90000049  }
0xb2: {  	s29 =	simm.s32 $0x9;
	_ =	strace $0x8000004B  }
0xb3: {  	_ =	swait.ge [sflag:s29], $0x1  }
0xb4: {  	[sflag:s29] =	ssyncadd.s32 $0xFFFFFFFF  }
0xb5: {  	_ =	strace $0x9000004B  }
0xb6: {  	_ =	sfence  }
0xb7: {  	s30 =	sld [smem:$0x0];
	_ =	sdelay $0x2  }
0xb8: {  	s31 =	sshll.u32 s1, $0xD;
	s1 =	sshrl.u32 s1, $0x2  }
0xb9: {  	s3 =	sand.u32 $0x4000, s31;
	s1 =	sadd.s32 s1, s30  }
0xba: {  	s0 =	sor.u32 s3, s0;
	s1 =	sshll.u32 s1, $0x11  }
0xbb: {  	s0 =	sor.u32 s1, s0  }
0xbc: {  	s0 =	sadd.s32 $0x8F2B, s0  }
0xbd: {  	[sflag:s0] =	ssyncadd.remote.s32 $0x1  }
0xbe: {  	_ =	sfence.sel $0xFFFF  }
0xbf: {  	[dreg:$0x0] =	wrdreg $0xFFFFFFFF;
	(pc) =	sbr.abs _section_cstart, $3  }
0xc0: {  	[dreg:$0x1] =	wrdreg $0xFFFFFFFF  }
0xc1: {  	_ =	task.clear_ibuf [dreg:s6], $0x2FFFF;
	_ =	strace $0x9FFFFFFF  }
0xc2: {  	(tm) =	ssettm $0x7FFFFFFF  }
0xc3: {  	_ =	shalt  }
tec
execute0_lowered:
.L_overlay_start_1:
0x0: {  	(tag) =	ssettag $0x1  }
0x1: {  	s6 =	rddreg [dreg:$0x0]  }
0x2: {  	s1 =	rddreg [dreg:$0x1];
	s2 =	srdreg.scid  }
0x3: {  	s0 =	rddreg [dreg:$0x2];
	s3 =	simm.s32 $0x0;
	s16 =	simm.s32 $0x80  }
0x4: {  	s17 =	simm.s32 $0x2800;
	s18 =	simm.s32 $0x6800;
	s19 =	simm.s32 $0x1  }
0x5: {  	s20 =	simm.s32 $0x2;
	s21 =	simm.s32 $0x2700;
	s22 =	simm.s32 $0x2780  }
0x6: {  	s23 =	simm.s32 $0x0;
	s7 =	sand.u32 $0x1, s2;
	s2 =	stileid.u32  }
0x7: {  	[smem:$0x7FF] =	sst s3;
	s4 =	sadd.s32 $0xFA00, s6;
	s5 =	smul.u32 $0x140000, s7  }
0x8: {  	s9 =	sadd.s32 $0x60200, s6;
	s10 =	sadd.s32 $0x3200, s6;
	s8 =	smul.u32 $0x14000, s2  }
0x9: {  	_ =	strace $0x8000004A;
	s11 =	sshll.u32 s7, $0x4;
	s7 =	ssub.s32 $0x2, s7  }
0xa: {  	s12 =	smul.u32 $0x50000, s2;
	s31 =	sshll.u32 s2, $0x6;
	s11 =	sor.u32 s2, s11  }
0xb: {  	s28 =	sshrl.u32 s7, $0x1;
	s8 =	sadd.s32 s8, s5;
	s5 =	sadd.s32 $0xD200, s6  }
0xc: {  	s29 =	smul.u32 $0x2800, s11;
	s14 =	ssub.s32 s7, s28;
	s30 =	sshrl.u32 s12, $0x2  }
0xd: {  	s8 =	sshrl.u32 s8, $0x3;
	s15 =	sadd.s32 s30, s1;
	s12 =	smax.u32 s14, $0x1  }
0xe: {  	s14 =	simm.s32 $0x3;
	s13 =	sadd.s32 s8, s6;
	s11 =	sshrl.u32 s29, $0x3  }
0xf: {  	s7 =	sadd.s32 s9, s11;
	s8 =	sadd.s32 s10, s11;
	s11 =	sadd.s32 $0x280, s11  }
0x10: {  	s6 =	sor.u32 $0x1C03, s31;
	s9 =	sadd.s32 s9, s11;
	s10 =	sadd.s32 s10, s11  }
0x11: {  	s11 =	sadd.s32 $0x6A200, s13;
	s13 =	sshrl.u32 s15, $0x3;
	s15 =	simm.s32 $0x1400  }
.LBB2_1:
0x12: {  	[spmem:s13], [sflag:s6] =	dma.local [hbm:s5], $0x2800  }
0x13: {  	_ =	swait.ge [sflag:s14], $0x2800  }
0x14: {  	[sflag:s14] =	ssyncset.done $0x0  }
0x15: {  	[sflag:s14] =	ssyncadd.s32 $0xFFFFD800  }
0x16: {  	[bflag:$0x0] =	sbarrier.arrive $0xFFFF  }
0x17: {  	[tilespmem:s3], [sflag:$0x3] =	stream.linear.gather [hbm4b:s7+s3], $0x1400, $0x38;
	[tilespmem:$0x1E800] =	vst v63  }
0x18: {  	_ =	swait.ge [sflag:s14], $0x1400  }
0x19: {  	[sflag:s14] =	ssyncset.done $0x0  }
0x1a: {  	[sflag:s14] =	ssyncadd.s32 $0xFFFFEC00  }
0x1b: {  	[tilespmem:s15], [sflag:$0x3] =	stream.linear.gather [hbm4b:s8+s3], $0x1400, $0x38;
	[tilespmem:$0x1E800] =	vst v63  }
0x1c: {  	_ =	swait.ge [sflag:s14], $0x1400  }
0x1d: {  	[sflag:s14] =	ssyncset.done $0x0  }
0x1e: {  	[sflag:s14] =	ssyncadd.s32 $0xFFFFEC00  }
0x1f: {  	[tilespmem:s17], [sflag:$0x1] =	stream.indirect.gather [hbm4b:s4+s16], $0x80, s3, s16, $0xb8;
	[tilespmem:$0x1E800] =	vst v63  }
0x20: {  	_ = 	snop  }
0x21: {  	[tilespmem:s18], [sflag:$0x2] =	stream.indirect.gather [hbm4b:s4+s16], $0x80, s16, s16, $0xb8;
	[tilespmem:$0x1E800] =	vst v63  }
0x22: {  	_ =	swait.ge [sflag:s19], $0x4000  }
0x23: {  	[sflag:s19] =	ssyncset.done $0x0  }
0x24: {  	s24 =	simm.s32 $0x1400;
	[sflag:s19] =	ssyncadd.s32 $0xFFFFC000  }
0x25: {  	[spmem:s1] =	stream.indirect.scatter.add.f32 [tilespmem:s17], [sflag:$0x3], $0x80, s24, s16, $0xb8;
	[tilespmem:$0x1E800] =	vst v63  }
0x26: {  	_ =	swait.ge [sflag:s14], $0x4000  }
0x27: {  	[sflag:s14] =	ssyncset.done $0x0  }
0x28: {  	s30 =	simm.s32 $0x100;
	[sflag:s14] =	ssyncadd.s32 $0xFFFFC000  }
0x29: {  	[tilespmem:s17], [sflag:$0x1] =	stream.indirect.gather [hbm4b:s4+s16], $0x80, s30, s16, $0xb8;
	[tilespmem:$0x1E800] =	vst v63  }
0x2a: {  	_ =	swait.ge [sflag:s20], $0x4000  }
0x2b: {  	[sflag:s20] =	ssyncset.done $0x0  }
0x2c: {  	s31 =	simm.s32 $0x1480;
	[sflag:s20] =	ssyncadd.s32 $0xFFFFC000  }
0x2d: {  	[spmem:s1] =	stream.indirect.scatter.add.f32 [tilespmem:s18], [sflag:$0x3], $0x80, s31, s16, $0xb8;
	[tilespmem:$0x1E800] =	vst v63  }
0x2e: {  	_ =	swait.ge [sflag:s14], $0x4000  }
0x2f: {  	[sflag:s14] =	ssyncset.done $0x0  }
0x30: {  	s25 =	simm.s32 $0x180;
	s24 =	simm.s32 $0x400;
	[sflag:s14] =	ssyncadd.s32 $0xFFFFC000  }
.LBB2_2:
0x31: {  	[tilespmem:s18], [sflag:$0x2] =	stream.indirect.gather [hbm4b:s4+s16], $0x80, s25, s16, $0xb8;
	[tilespmem:$0x1E800] =	vst v63  }
0x32: {  	s25 =	smov.u32 s24  }
0x33: {  	p0 =	sne.s32 s24, $0x4800;
	s24 =	sadd.s32 $0x400, s24;
	_ =	swait.ge [sflag:s19], $0x4000  }
0x34: {  	s25 =	sshra.s32 s25, $0x2;
	[sflag:s19] =	ssyncset.done $0x0  }
0x35: {  	s26 =	sadd.s32 $0x1400, s25;
	[sflag:s19] =	ssyncadd.s32 $0xFFFFC000  }
0x36: {  	[spmem:s1] =	stream.indirect.scatter.add.f32 [tilespmem:s17], [sflag:$0x3], $0x80, s26, s16, $0xb8;
	[tilespmem:$0x1E800] =	vst v63  }
0x37: {  	_ =	swait.ge [sflag:s14], $0x4000  }
0x38: {  	[sflag:s14] =	ssyncset.done $0x0  }
0x39: {  	s26 =	sadd.s32 $0x100, s25;
	[sflag:s14] =	ssyncadd.s32 $0xFFFFC000  }
0x3a: {  	[tilespmem:s17], [sflag:$0x1] =	stream.indirect.gather [hbm4b:s4+s16], $0x80, s26, s16, $0xb8;
	[tilespmem:$0x1E800] =	vst v63  }
0x3b: {  	_ =	swait.ge [sflag:s20], $0x4000  }
0x3c: {  	[sflag:s20] =	ssyncset.done $0x0  }
.Ltmp0:
0x3d: {  	s26 =	sadd.s32 $0x1480, s25;
	[sflag:s20] =	ssyncadd.s32 $0xFFFFC000;
	(pc) =	sbr.rel @p0 .LBB2_2-.Ltmp0, $4  }
0x3e: {  	[spmem:s1] =	stream.indirect.scatter.add.f32 [tilespmem:s18], [sflag:$0x3], $0x80, s26, s16, $0xb8;
	[tilespmem:$0x1E800] =	vst v63  }
0x3f: {  	_ =	swait.ge [sflag:s14], $0x4000  }
0x40: {  	[sflag:s14] =	ssyncset.done $0x0  }
0x41: {  	s25 =	sadd.s32 $0x180, s25;
	[sflag:s14] =	ssyncadd.s32 $0xFFFFC000  }
0x42: {  	[tilespmem:s18], [sflag:$0x2] =	stream.indirect.gather [hbm4b:s4+s16], $0x80, s25, s16, $0xb8;
	[tilespmem:$0x1E800] =	vst v63  }
0x43: {  	_ =	swait.ge [sflag:s19], $0x4000  }
0x44: {  	[sflag:s19] =	ssyncset.done $0x0  }
0x45: {  	[sflag:s19] =	ssyncadd.s32 $0xFFFFC000  }
0x46: {  	[spmem:s1] =	stream.indirect.scatter.add.f32 [tilespmem:s17], [sflag:$0x3], $0x80, s21, s16, $0xb8;
	[tilespmem:$0x1E800] =	vst v63  }
0x47: {  	_ =	swait.ge [sflag:s14], $0x4000  }
0x48: {  	[sflag:s14] =	ssyncset.done $0x0  }
0x49: {  	[sflag:s14] =	ssyncadd.s32 $0xFFFFC000  }
0x4a: {  	_ =	swait.ge [sflag:s20], $0x4000  }
0x4b: {  	[sflag:s20] =	ssyncset.done $0x0  }
0x4c: {  	[sflag:s20] =	ssyncadd.s32 $0xFFFFC000  }
0x4d: {  	[spmem:s1] =	stream.indirect.scatter.add.f32 [tilespmem:s18], [sflag:$0x3], $0x80, s22, s16, $0xb8;
	[tilespmem:$0x1E800] =	vst v63  }
0x4e: {  	_ =	swait.ge [sflag:s14], $0x4000  }
0x4f: {  	[sflag:s14] =	ssyncset.done $0x0  }
0x50: {  	s24 =	simm.s32 $0x0;
	[sflag:s14] =	ssyncadd.s32 $0xFFFFC000  }
0x51: {  	[tilespmem:s24], [sflag:$0x3] =	stream.linear.gather [hbm4b:s9+s24], $0x1400, $0x38;
	[tilespmem:$0x1E800] =	vst v63  }
0x52: {  	_ =	swait.ge [sflag:s14], $0x1400  }
0x53: {  	[sflag:s14] =	ssyncset.done $0x0  }
0x54: {  	[sflag:s14] =	ssyncadd.s32 $0xFFFFEC00  }
0x55: {  	[tilespmem:s15], [sflag:$0x3] =	stream.linear.gather [hbm4b:s10+s24], $0x1400, $0x38;
	[tilespmem:$0x1E800] =	vst v63  }
0x56: {  	_ =	swait.ge [sflag:s14], $0x1400  }
0x57: {  	[sflag:s14] =	ssyncset.done $0x0  }
0x58: {  	[sflag:s14] =	ssyncadd.s32 $0xFFFFEC00  }
0x59: {  	[tilespmem:s17], [sflag:$0x1] =	stream.indirect.gather [hbm4b:s4+s16], $0x80, s24, s16, $0xb8;
	[tilespmem:$0x1E800] =	vst v63  }
0x5a: {  	_ = 	snop  }
0x5b: {  	[tilespmem:s18], [sflag:$0x2] =	stream.indirect.gather [hbm4b:s4+s16], $0x80, s16, s16, $0xb8;
	[tilespmem:$0x1E800] =	vst v63  }
0x5c: {  	_ =	swait.ge [sflag:s19], $0x4000  }
0x5d: {  	[sflag:s19] =	ssyncset.done $0x0  }
0x5e: {  	s29 =	simm.s32 $0x1400;
	[sflag:s19] =	ssyncadd.s32 $0xFFFFC000  }
0x5f: {  	[spmem:s1] =	stream.indirect.scatter.add.f32 [tilespmem:s17], [sflag:$0x3], $0x80, s29, s16, $0xb8;
	[tilespmem:$0x1E800] =	vst v63  }
0x60: {  	_ =	swait.ge [sflag:s14], $0x4000  }
0x61: {  	[sflag:s14] =	ssyncset.done $0x0  }
0x62: {  	s30 =	simm.s32 $0x100;
	[sflag:s14] =	ssyncadd.s32 $0xFFFFC000  }
0x63: {  	[tilespmem:s17], [sflag:$0x1] =	stream.indirect.gather [hbm4b:s4+s16], $0x80, s30, s16, $0xb8;
	[tilespmem:$0x1E800] =	vst v63  }
0x64: {  	_ =	swait.ge [sflag:s20], $0x4000  }
0x65: {  	[sflag:s20] =	ssyncset.done $0x0  }
0x66: {  	s31 =	simm.s32 $0x1480;
	[sflag:s20] =	ssyncadd.s32 $0xFFFFC000  }
0x67: {  	[spmem:s1] =	stream.indirect.scatter.add.f32 [tilespmem:s18], [sflag:$0x3], $0x80, s31, s16, $0xb8;
	[tilespmem:$0x1E800] =	vst v63  }
0x68: {  	_ =	swait.ge [sflag:s14], $0x4000  }
0x69: {  	[sflag:s14] =	ssyncset.done $0x0  }
0x6a: {  	s25 =	simm.s32 $0x180;
	s24 =	simm.s32 $0x400;
	[sflag:s14] =	ssyncadd.s32 $0xFFFFC000  }
.LBB2_4:
0x6b: {  	[tilespmem:s18], [sflag:$0x2] =	stream.indirect.gather [hbm4b:s4+s16], $0x80, s25, s16, $0xb8;
	[tilespmem:$0x1E800] =	vst v63  }
0x6c: {  	s25 =	smov.u32 s24  }
0x6d: {  	p0 =	sne.s32 s24, $0x4800;
	s24 =	sadd.s32 $0x400, s24;
	_ =	swait.ge [sflag:s19], $0x4000  }
0x6e: {  	s25 =	sshra.s32 s25, $0x2;
	[sflag:s19] =	ssyncset.done $0x0  }
0x6f: {  	s26 =	sadd.s32 $0x1400, s25;
	[sflag:s19] =	ssyncadd.s32 $0xFFFFC000  }
0x70: {  	[spmem:s1] =	stream.indirect.scatter.add.f32 [tilespmem:s17], [sflag:$0x3], $0x80, s26, s16, $0xb8;
	[tilespmem:$0x1E800] =	vst v63  }
0x71: {  	_ =	swait.ge [sflag:s14], $0x4000  }
0x72: {  	[sflag:s14] =	ssyncset.done $0x0  }
0x73: {  	s26 =	sadd.s32 $0x100, s25;
	[sflag:s14] =	ssyncadd.s32 $0xFFFFC000  }
0x74: {  	[tilespmem:s17], [sflag:$0x1] =	stream.indirect.gather [hbm4b:s4+s16], $0x80, s26, s16, $0xb8;
	[tilespmem:$0x1E800] =	vst v63  }
0x75: {  	_ =	swait.ge [sflag:s20], $0x4000  }
0x76: {  	[sflag:s20] =	ssyncset.done $0x0  }
.Ltmp1:
0x77: {  	s26 =	sadd.s32 $0x1480, s25;
	[sflag:s20] =	ssyncadd.s32 $0xFFFFC000;
	(pc) =	sbr.rel @p0 .LBB2_4-.Ltmp1, $4  }
0x78: {  	[spmem:s1] =	stream.indirect.scatter.add.f32 [tilespmem:s18], [sflag:$0x3], $0x80, s26, s16, $0xb8;
	[tilespmem:$0x1E800] =	vst v63  }
0x79: {  	_ =	swait.ge [sflag:s14], $0x4000  }
0x7a: {  	[sflag:s14] =	ssyncset.done $0x0  }
0x7b: {  	s25 =	sadd.s32 $0x180, s25;
	[sflag:s14] =	ssyncadd.s32 $0xFFFFC000  }
0x7c: {  	[tilespmem:s18], [sflag:$0x2] =	stream.indirect.gather [hbm4b:s4+s16], $0x80, s25, s16, $0xb8;
	[tilespmem:$0x1E800] =	vst v63  }
0x7d: {  	_ =	swait.ge [sflag:s19], $0x4000  }
0x7e: {  	[sflag:s19] =	ssyncset.done $0x0  }
0x7f: {  	[sflag:s19] =	ssyncadd.s32 $0xFFFFC000  }
0x80: {  	[spmem:s1] =	stream.indirect.scatter.add.f32 [tilespmem:s17], [sflag:$0x3], $0x80, s21, s16, $0xb8;
	[tilespmem:$0x1E800] =	vst v63  }
0x81: {  	_ =	swait.ge [sflag:s14], $0x4000  }
0x82: {  	[sflag:s14] =	ssyncset.done $0x0  }
0x83: {  	[sflag:s14] =	ssyncadd.s32 $0xFFFFC000  }
0x84: {  	_ =	swait.ge [sflag:s20], $0x4000  }
0x85: {  	[sflag:s20] =	ssyncset.done $0x0  }
0x86: {  	[sflag:s20] =	ssyncadd.s32 $0xFFFFC000  }
0x87: {  	[spmem:s1] =	stream.indirect.scatter.add.f32 [tilespmem:s18], [sflag:$0x3], $0x80, s22, s16, $0xb8;
	[tilespmem:$0x1E800] =	vst v63  }
0x88: {  	_ =	swait.ge [sflag:s14], $0x4000  }
0x89: {  	s23 =	sadd.s32 $0x1, s23;
	[sflag:s14] =	ssyncset.done $0x0  }
0x8a: {  	p0 =	sne.s32 s23, s12;
	[sflag:s14] =	ssyncadd.s32 $0xFFFFC000  }
.Ltmp2:
0x8b: {  	[bflag:$0x0] =	sbarrier.arrive $0xFFFF;
	(pc) =	sbr.rel @p0 .LBB2_1-.Ltmp2, $4  }
0x8c: {  	[hbm:s11], [sflag:s6] =	dma.local [spmem:s13], $0x2800  }
0x8d: {  	_ =	swait.ge [sflag:s14], $0x2800  }
0x8e: {  	[sflag:s14] =	ssyncset.done $0x0  }
0x8f: {  	[sflag:s14] =	ssyncadd.s32 $0xFFFFD800  }
0x90: {  	_ =	sfence.sel $0x180000  }
0x91: {  	[bflag:$0x0] =	sbarrier.arrive $0xFFFF  }
0x92: {  	p0 =	sne.s32 s2, $0x0;
	_ =	strace $0x9000004A  }
0x93: {  	s0 =	sadd.s32 @!p0 $0x100000, s0;
	[bflag:$0x2] =	sbarrier.arrive $0xFFFF  }
0x94: {  	[sflag:s0] =	ssyncadd.tile.s32 @!p0 $0x1;
	_ =	shalt  }
.Lfunc_end2:
_tile_overlayer_lowered:
.L_overlay_start_2:
0x95: {  	(tag) =	ssettag $0x2  }
0x96: {  	s0 =	rddreg [dreg:$0x0];
	s2 =	stileid.u32  }
0x97: {  	s1 =	rddreg [dreg:$0x1];
	p0 =	sne.s32 s2, $0x0  }
0x98: {  	s3 =	rddreg [dreg:$0x2];
	[bflag:$0x3] =	sbarrier.arrive $0xFFFF;
	s2 =	simm.s32 @!p0 $0x1C03  }
0x99: {  	[timem:s3], [sflag:s2] =	dma.local @!p0 [hbm:s0], s1  }
0x9a: {  	s0 =	simm.s32 @!p0 $0x3  }
0x9b: {  	_ =	swait.ge @!p0 [sflag:s0], s1  }
0x9c: {  	s1 =	ssub.s32 @!p0 $0x0, s1;
	[sflag:s0] =	ssyncset.done @!p0 $0x0  }
0x9d: {  	[sflag:s0] =	ssyncadd.s32 @!p0 s1  }
0x9e: {  	[bflag:$0x3] =	sbarrier.arrive $0xFFFF  }
0x9f: {  	_ =	shalt  }

// kernel: kernel.14.cloned.1.call-start
scs
__scs_entry_jumppad:
0x0: {  	(pc) =	sbr.rel $0x88, $3  }
0x1: {  	(tag) =	ssettag $0x0;
	lr =	simm.s32 $0x1  }
0x2: {  	[smem:$0x3F96] =	sst lr;
	_ =	strace $0xD0000000  }
0x3: {  	_ = 	snop  }
0x4: {  	_ = 	snop  }
0x5: {  	_ = 	snop  }
0x6: {  	_ = 	snop  }
0x7: {  	_ = 	snop  }
__scs_overlays_trampoline_lowered:
0x8: {  	[smem:$0x3FA5] =	sst s0  }
0x9: {  	[smem:$0x3FA6] =	sst s1  }
0xa: {  	[smem:$0x3FA7] =	sst s2  }
0xb: {  	[smem:$0x3FA8] =	sst s3  }
0xc: {  	[smem:$0x3FA9] =	sst s4  }
0xd: {  	[smem:$0x3FAA] =	sst s5  }
0xe: {  	[smem:$0x3FAB] =	sst s6  }
0xf: {  	[smem:$0x3FAC] =	sst s7  }
0x10: {  	[smem:$0x3FAD] =	sst s8  }
0x11: {  	[smem:$0x3FAE] =	sst s9;
	s0 =	simm.s32 @!p0 $0x0  }
0x12: {  	s1 =	sld [smem:$0x3F94];
	s0 =	simm.s32 @p0 $0x1  }
0x13: {  	[smem:$0x3FAF] =	sst s0;
	s0 =	simm.s32 @!p1 $0x0  }
0x14: {  	s2 =	sld [smem:$0x3F93];
	s0 =	simm.s32 @p1 $0x1  }
0x15: {  	[smem:$0x3FB0] =	sst s0;
	s0 =	simm.s32 @!p2 $0x0  }
0x16: {  	s3 =	sld [smem:$0x3FDB];
	s0 =	simm.s32 @p2 $0x1  }
0x17: {  	s4 =	simm.s32 $0x1BF5;
	[smem:$0x3FB2] =	sst s0  }
0x18: {  	s0 =	sld [smem:$0x3F95];
	_ =	swait.ge [sflag:s4], $0x0  }
0x19: {  	s7 =	sld [smem:$0x3F96]  }
0x1a: {  	s8 =	sadd.s32 $0xFFFFE003, lr  }
0x1b: {  	s9 =	sadd.s32 $0xFFFFFEF7, lr;
	s5 =	simm.s32 $0xFFFFFFFF;
	p2 =	slt.u32 s8, $0xFFFFF086  }
0x1c: {  	p1 =	slt.u32 s9, $0xF7A;
	s5 =	simm.s32 @!p2 $0x0  }
0x1d: {  	s5 =	simm.s32 @p1 $0x1;
	p0 =	seq.s32 s7, s2  }
0x1e: {  	s7 =	smul.u32 @!p0 $0xF7A, s2;
	p2 =	seq.s32 @!p0 s5, $0x0  }
0x1f: {  	s9 =	smul.u32 $0xF7A, s1;
	s8 =	simm.s32 @!p0 $0x1BF5;
	p2 =	por !p2, p0  }
0x20: {  	[sflag:s8] =	ssyncset.s32 @!p0 $0xFFFFF086;
	s6 =	sadd.s32 @!p0 s3, s7;
	s7 =	simm.s32 @!p0 $0x108  }
0x21: {  	s3 =	sadd.s32 s3, s9;
	s6 =	sadd.s32 @!p0 $0x88, s6;
	s7 =	simm.s32 @p2 $0x1082  }
0x22: {  	[simem:s7], [sflag:s8] =	dma.local @!p0 [hbm:s6], $0xF7A  }
0x23: {  	s9 =	sor.u32 $0xD0000000, s2;
	s6 =	simm.s32 $0x108;
	_ =	swait.ge @!p0 [sflag:s8], $0x0  }
0x24: {  	s3 =	sadd.s32 $0x88, s3;
	s6 =	simm.s32 @!p1 $0x1082;
	[sflag:s4] =	ssyncset.s32 $0xFFFFF086  }
0x25: {  	[simem:s6], [sflag:s4] =	dma.local [hbm:s3], $0xF7A  }
0x26: {  	[smem:$0x3F96] =	sst s1;
	(tag) =	ssettag s2;
	_ =	strace s9  }
0x27: {  	s1 =	sld [smem:$0x3FA6]  }
0x28: {  	s2 =	sld [smem:$0x3FA7]  }
0x29: {  	s4 =	sld [smem:$0x3FA9]  }
0x2a: {  	p0 =	seq.s32 s5, $0x0;
	s5 =	sld [smem:$0x3FAA]  }
0x2b: {  	s6 =	sld [smem:$0x3FAB]  }
0x2c: {  	s7 =	sld [smem:$0x3FAC]  }
0x2d: {  	s3 =	simm.s32 $0x108;
	s8 =	sld [smem:$0x3FAD]  }
0x2e: {  	s3 =	simm.s32 @!p0 $0x1082;
	s9 =	sld [smem:$0x3FAE]  }
0x2f: {  	lr =	sadd.s32 s0, s3;
	s0 =	sld [smem:$0x3FA5]  }
0x30: {  	s3 =	sld [smem:$0x3FA8]  }
0x31: {  	[smem:$0x3FB1] =	sst s10  }
0x32: {  	s10 =	sld [smem:$0x3FAF];
	_ =	sdelay $0x3  }
0x33: {  	p0 =	seq.s32 s10, $0x1;
	s10 =	sld [smem:$0x3FB1];
	_ =	sdelay $0x3  }
0x34: {  	[smem:$0x3FB1] =	sst s10  }
0x35: {  	s10 =	sld [smem:$0x3FB0];
	_ =	sdelay $0x3  }
0x36: {  	p1 =	seq.s32 s10, $0x1;
	s10 =	sld [smem:$0x3FB1];
	_ =	sdelay $0x3  }
0x37: {  	[smem:$0x3FB1] =	sst s10  }
0x38: {  	s10 =	sld [smem:$0x3FB2]  }
0x39: {  	_ = 	snop;
	(pc) =	sbr.ind lr, $3  }
0x3a: {  	_ = 	snop  }
0x3b: {  	_ = 	snop  }
0x3c: {  	p2 =	seq.s32 s10, $0x1;
	s10 =	sld [smem:$0x3FB1]  }
0x3d: {  	_ =	shalt  }
0x3e: {  	_ =	shalt  }
0x3f: {  	_ =	shalt  }
0x40: {  	_ =	shalt  }
0x41: {  	_ =	shalt  }
0x42: {  	_ =	shalt  }
0x43: {  	_ =	shalt  }
0x44: {  	_ =	shalt  }
0x45: {  	_ =	shalt  }
0x46: {  	_ =	shalt  }
0x47: {  	_ =	shalt  }
0x48: {  	_ =	shalt  }
0x49: {  	_ =	shalt  }
0x4a: {  	_ =	shalt  }
0x4b: {  	_ =	shalt  }
0x4c: {  	_ =	shalt  }
0x4d: {  	_ =	shalt  }
0x4e: {  	_ =	shalt  }
0x4f: {  	_ =	shalt  }
0x50: {  	_ =	shalt  }
0x51: {  	_ =	shalt  }
0x52: {  	_ =	shalt  }
0x53: {  	_ =	shalt  }
0x54: {  	_ =	shalt  }
0x55: {  	_ =	shalt  }
0x56: {  	_ =	shalt  }
0x57: {  	_ =	shalt  }
0x58: {  	_ =	shalt  }
0x59: {  	_ =	shalt  }
0x5a: {  	_ =	shalt  }
0x5b: {  	_ =	shalt  }
0x5c: {  	_ =	shalt  }
0x5d: {  	_ =	shalt  }
0x5e: {  	_ =	shalt  }
0x5f: {  	_ =	shalt  }
0x60: {  	_ =	shalt  }
0x61: {  	_ =	shalt  }
0x62: {  	_ =	shalt  }
0x63: {  	_ =	shalt  }
0x64: {  	_ =	shalt  }
0x65: {  	_ =	shalt  }
0x66: {  	_ =	shalt  }
0x67: {  	_ =	shalt  }
0x68: {  	_ =	shalt  }
0x69: {  	_ =	shalt  }
0x6a: {  	_ =	shalt  }
0x6b: {  	_ =	shalt  }
0x6c: {  	_ =	shalt  }
0x6d: {  	_ =	shalt  }
0x6e: {  	_ =	shalt  }
0x6f: {  	_ =	shalt  }
0x70: {  	_ =	shalt  }
0x71: {  	_ =	shalt  }
0x72: {  	_ =	shalt  }
0x73: {  	_ =	shalt  }
0x74: {  	_ =	shalt  }
0x75: {  	_ =	shalt  }
0x76: {  	_ =	shalt  }
0x77: {  	_ =	shalt  }
0x78: {  	_ =	shalt  }
0x79: {  	_ =	shalt  }
0x7a: {  	_ =	shalt  }
0x7b: {  	_ =	shalt  }
0x7c: {  	_ =	shalt  }
0x7d: {  	_ =	shalt  }
0x7e: {  	_ =	shalt  }
0x7f: {  	_ =	shalt  }
0x80: {  	_ =	shalt  }
0x81: {  	_ =	shalt  }
0x82: {  	_ =	shalt  }
0x83: {  	_ =	shalt  }
0x84: {  	_ =	shalt  }
0x85: {  	_ =	shalt  }
0x86: {  	_ =	shalt  }
0x87: {  	_ =	shalt  }
.Lfunc_end0:
.L_simem_size_0:
called_computation.2_lowered:
.L_overlay_start_0:
0x88: {  	s2 =	sld [smem:$0x3FD9]  }
0x89: {  	s3 =	sld [smem:$0x3FFE];
	_ =	sdelay $0x1  }
0x8a: {  	s1 =	srdreg.scid  }
0x8b: {  	s0 =	sand.u32 $0x1, s1  }
0x8c: {  	s16 =	sshll.u32 s0, $0xA;
	s2 =	sadd.s32 s3, s2  }
0x8d: {  	s2 =	sadd.s32 s2, s16  }
0x8e: {  	[smem:$0x3FBD] =	sst s2  }
0x8f: {  	_ = 	snop  }
0x90: {  	(tm) =	ssettm $0x1  }
0x91: {  	s17 =	sld [smem:$0x3FFB];
	_ =	sdelay $0x3  }
0x92: {  	_ =	strace s17  }
0x93: {  	s2 =	sld [smem:$0x3FFC];
	_ =	sdelay $0x3  }
0x94: {  	_ =	strace s2  }
0x95: {  	s2 =	sld [smem:$0x3FFD];
	_ =	sdelay $0x3  }
0x96: {  	_ =	strace s2  }
0x97: {  	_ =	strace $0x8FFFFFFF  }
0x98: {  	s18 =	sld [smem:$0x3FDB];
	_ =	sdelay $0x1  }
0x99: {  	s19 =	simm.s32 $_scs_section_size  }
0x9a: {  	s4 =	simm.s32 $_size__tile_overlayer_lowered;
	s5 =	simm.s32 $_tile_overlayer_lowered  }
0x9b: {  	s22 =	simm.s32 $0x1BFF;
	s21 =	sshll.u32 s5, $0x1;
	s2 =	sadd.s32 s19, s18  }
0x9c: {  	s6 =	simm.s32 $0x0;
	s20 =	sshll.u32 s4, $0x1;
	s4 =	sadd.s32 s21, s2  }
0x9d: {  	[timem:s6], [sflag:s22] =	dma.local [hbm:s4], s20  }
0x9e: {  	_ =	swait.ge [sflag:s22], s20  }
0x9f: {  	s3 =	ssub.s32 $0x0, s20;
	[sflag:s22] =	ssyncset.done $0x0  }
0xa0: {  	[sflag:s22] =	ssyncadd.s32 s3;
	_ =	sdelay $0x1  }
0xa1: {  	s23 =	simm.s32 $0x1B8B  }
0xa2: {  	_ =	swait.ge [sflag:s23], $0x1  }
0xa3: {  	[sflag:s23] =	ssyncset.done $0x0  }
0xa4: {  	s25 =	simm.s32 $0x1B8E;
	s24 =	sld [smem:$0x3FFE];
	[sflag:s23] =	ssyncadd.s32 $0xFFFFFFFF  }
0xa5: {  	s26 =	simm.s32 $execute0_lowered;
	[smem:$0x3FD2] =	sst s25  }
0xa6: {  	s4 =	sshll.u32 s26, $0x1;
	_ =	strace $0x8000004C;
	[dreg:$0x1] =	wrdreg $0xFFFFFFFF  }
0xa7: {  	s28 =	simm.s32 $_size_execute0_lowered;
	s2 =	sadd.s32 s2, s4;
	[dreg:$0x0] =	wrdreg $0x0  }
0xa8: {  	s4 =	sshll.u32 s28, $0x1;
	[dreg:$0x2] =	wrdreg s2  }
0xa9: {  	[dreg:$0x3] =	wrdreg s4  }
0xaa: {  	[dreg:$0x4] =	wrdreg $0xC0  }
0xab: {  	_ =	task [dreg:s6], $0x5FFFF  }
0xac: {  	[dreg:$0x1] =	wrdreg $0xFFFFFFFF  }
0xad: {  	[dreg:$0x0] =	wrdreg $0x60  }
0xae: {  	[dreg:$0x2] =	wrdreg s24  }
0xaf: {  	[dreg:$0x3] =	wrdreg $0xA8000  }
0xb0: {  	[dreg:$0x4] =	wrdreg $0x9  }
0xb1: {  	_ =	task.clear_ibuf [dreg:s6], $0x5FFFF;
	_ =	strace $0x9000004C  }
0xb2: {  	s29 =	simm.s32 $0x9;
	_ =	strace $0x8000004E  }
0xb3: {  	_ =	swait.ge [sflag:s29], $0x1  }
0xb4: {  	[sflag:s29] =	ssyncadd.s32 $0xFFFFFFFF  }
0xb5: {  	_ =	strace $0x9000004E  }
0xb6: {  	_ =	sfence  }
0xb7: {  	s30 =	sld [smem:$0x0];
	_ =	sdelay $0x2  }
0xb8: {  	s31 =	sshll.u32 s1, $0xD;
	s1 =	sshrl.u32 s1, $0x2  }
0xb9: {  	s3 =	sand.u32 $0x4000, s31;
	s1 =	sadd.s32 s1, s30  }
0xba: {  	s0 =	sor.u32 s3, s0;
	s1 =	sshll.u32 s1, $0x11  }
0xbb: {  	s0 =	sor.u32 s1, s0  }
0xbc: {  	s0 =	sadd.s32 $0x8F2B, s0  }
0xbd: {  	[sflag:s0] =	ssyncadd.remote.s32 $0x1  }
0xbe: {  	_ =	sfence.sel $0xFFFF  }
0xbf: {  	[dreg:$0x0] =	wrdreg $0xFFFFFFFF;
	(pc) =	sbr.abs _section_cstart, $3  }
0xc0: {  	[dreg:$0x1] =	wrdreg $0xFFFFFFFF  }
0xc1: {  	_ =	task.clear_ibuf [dreg:s6], $0x2FFFF;
	_ =	strace $0x9FFFFFFF  }
0xc2: {  	(tm) =	ssettm $0x7FFFFFFF  }
0xc3: {  	_ =	shalt  }
tec
execute0_lowered:
.L_overlay_start_1:
0x0: {  	(tag) =	ssettag $0x1  }
0x1: {  	s6 =	rddreg [dreg:$0x0]  }
0x2: {  	s1 =	rddreg [dreg:$0x1];
	s2 =	srdreg.scid  }
0x3: {  	s0 =	rddreg [dreg:$0x2];
	s3 =	simm.s32 $0x0;
	s16 =	simm.s32 $0x80  }
0x4: {  	s17 =	simm.s32 $0x2800;
	s18 =	simm.s32 $0x6800;
	s19 =	simm.s32 $0x1  }
0x5: {  	s20 =	simm.s32 $0x2;
	s21 =	simm.s32 $0x2700;
	s22 =	simm.s32 $0x2780  }
0x6: {  	s23 =	simm.s32 $0x0;
	s7 =	sand.u32 $0x1, s2;
	s2 =	stileid.u32  }
0x7: {  	[smem:$0x7FF] =	sst s3;
	s4 =	sadd.s32 $0xFA00, s6;
	s5 =	smul.u32 $0x140000, s7  }
0x8: {  	s9 =	sadd.s32 $0x60200, s6;
	s10 =	sadd.s32 $0x3200, s6;
	s8 =	smul.u32 $0x14000, s2  }
0x9: {  	_ =	strace $0x8000004D;
	s11 =	sshll.u32 s7, $0x4;
	s7 =	ssub.s32 $0x2, s7  }
0xa: {  	s12 =	smul.u32 $0x50000, s2;
	s31 =	sshll.u32 s2, $0x6;
	s11 =	sor.u32 s2, s11  }
0xb: {  	s28 =	sshrl.u32 s7, $0x1;
	s8 =	sadd.s32 s8, s5;
	s5 =	sadd.s32 $0xD200, s6  }
0xc: {  	s29 =	smul.u32 $0x2800, s11;
	s14 =	ssub.s32 s7, s28;
	s30 =	sshrl.u32 s12, $0x2  }
0xd: {  	s8 =	sshrl.u32 s8, $0x3;
	s15 =	sadd.s32 s30, s1;
	s12 =	smax.u32 s14, $0x1  }
0xe: {  	s14 =	simm.s32 $0x3;
	s13 =	sadd.s32 s8, s6;
	s11 =	sshrl.u32 s29, $0x3  }
0xf: {  	s7 =	sadd.s32 s9, s11;
	s8 =	sadd.s32 s10, s11;
	s11 =	sadd.s32 $0x280, s11  }
0x10: {  	s6 =	sor.u32 $0x1C03, s31;
	s9 =	sadd.s32 s9, s11;
	s10 =	sadd.s32 s10, s11  }
0x11: {  	s11 =	sadd.s32 $0x6A200, s13;
	s13 =	sshrl.u32 s15, $0x3;
	s15 =	simm.s32 $0x1400  }
.LBB2_1:
0x12: {  	[spmem:s13], [sflag:s6] =	dma.local [hbm:s5], $0x2800  }
0x13: {  	_ =	swait.ge [sflag:s14], $0x2800  }
0x14: {  	[sflag:s14] =	ssyncset.done $0x0  }
0x15: {  	[sflag:s14] =	ssyncadd.s32 $0xFFFFD800  }
0x16: {  	[bflag:$0x0] =	sbarrier.arrive $0xFFFF  }
0x17: {  	[tilespmem:s3], [sflag:$0x3] =	stream.linear.gather [hbm4b:s7+s3], $0x1400, $0x38;
	[tilespmem:$0x1E800] =	vst v63  }
0x18: {  	_ =	swait.ge [sflag:s14], $0x1400  }
0x19: {  	[sflag:s14] =	ssyncset.done $0x0  }
0x1a: {  	[sflag:s14] =	ssyncadd.s32 $0xFFFFEC00  }
0x1b: {  	[tilespmem:s15], [sflag:$0x3] =	stream.linear.gather [hbm4b:s8+s3], $0x1400, $0x38;
	[tilespmem:$0x1E800] =	vst v63  }
0x1c: {  	_ =	swait.ge [sflag:s14], $0x1400  }
0x1d: {  	[sflag:s14] =	ssyncset.done $0x0  }
0x1e: {  	[sflag:s14] =	ssyncadd.s32 $0xFFFFEC00  }
0x1f: {  	[tilespmem:s17], [sflag:$0x1] =	stream.indirect.gather [hbm4b:s4+s16], $0x80, s3, s16, $0xb8;
	[tilespmem:$0x1E800] =	vst v63  }
0x20: {  	_ = 	snop  }
0x21: {  	[tilespmem:s18], [sflag:$0x2] =	stream.indirect.gather [hbm4b:s4+s16], $0x80, s16, s16, $0xb8;
	[tilespmem:$0x1E800] =	vst v63  }
0x22: {  	_ =	swait.ge [sflag:s19], $0x4000  }
0x23: {  	[sflag:s19] =	ssyncset.done $0x0  }
0x24: {  	s24 =	simm.s32 $0x1400;
	[sflag:s19] =	ssyncadd.s32 $0xFFFFC000  }
0x25: {  	[spmem:s1] =	stream.indirect.scatter.add.f32 [tilespmem:s17], [sflag:$0x3], $0x80, s24, s16, $0xb8;
	[tilespmem:$0x1E800] =	vst v63  }
0x26: {  	_ =	swait.ge [sflag:s14], $0x4000  }
0x27: {  	[sflag:s14] =	ssyncset.done $0x0  }
0x28: {  	s30 =	simm.s32 $0x100;
	[sflag:s14] =	ssyncadd.s32 $0xFFFFC000  }
0x29: {  	[tilespmem:s17], [sflag:$0x1] =	stream.indirect.gather [hbm4b:s4+s16], $0x80, s30, s16, $0xb8;
	[tilespmem:$0x1E800] =	vst v63  }
0x2a: {  	_ =	swait.ge [sflag:s20], $0x4000  }
0x2b: {  	[sflag:s20] =	ssyncset.done $0x0  }
0x2c: {  	s31 =	simm.s32 $0x1480;
	[sflag:s20] =	ssyncadd.s32 $0xFFFFC000  }
0x2d: {  	[spmem:s1] =	stream.indirect.scatter.add.f32 [tilespmem:s18], [sflag:$0x3], $0x80, s31, s16, $0xb8;
	[tilespmem:$0x1E800] =	vst v63  }
0x2e: {  	_ =	swait.ge [sflag:s14], $0x4000  }
0x2f: {  	[sflag:s14] =	ssyncset.done $0x0  }
0x30: {  	s25 =	simm.s32 $0x180;
	s24 =	simm.s32 $0x400;
	[sflag:s14] =	ssyncadd.s32 $0xFFFFC000  }
.LBB2_2:
0x31: {  	[tilespmem:s18], [sflag:$0x2] =	stream.indirect.gather [hbm4b:s4+s16], $0x80, s25, s16, $0xb8;
	[tilespmem:$0x1E800] =	vst v63  }
0x32: {  	s25 =	smov.u32 s24  }
0x33: {  	p0 =	sne.s32 s24, $0x4800;
	s24 =	sadd.s32 $0x400, s24;
	_ =	swait.ge [sflag:s19], $0x4000  }
0x34: {  	s25 =	sshra.s32 s25, $0x2;
	[sflag:s19] =	ssyncset.done $0x0  }
0x35: {  	s26 =	sadd.s32 $0x1400, s25;
	[sflag:s19] =	ssyncadd.s32 $0xFFFFC000  }
0x36: {  	[spmem:s1] =	stream.indirect.scatter.add.f32 [tilespmem:s17], [sflag:$0x3], $0x80, s26, s16, $0xb8;
	[tilespmem:$0x1E800] =	vst v63  }
0x37: {  	_ =	swait.ge [sflag:s14], $0x4000  }
0x38: {  	[sflag:s14] =	ssyncset.done $0x0  }
0x39: {  	s26 =	sadd.s32 $0x100, s25;
	[sflag:s14] =	ssyncadd.s32 $0xFFFFC000  }
0x3a: {  	[tilespmem:s17], [sflag:$0x1] =	stream.indirect.gather [hbm4b:s4+s16], $0x80, s26, s16, $0xb8;
	[tilespmem:$0x1E800] =	vst v63  }
0x3b: {  	_ =	swait.ge [sflag:s20], $0x4000  }
0x3c: {  	[sflag:s20] =	ssyncset.done $0x0  }
.Ltmp0:
0x3d: {  	s26 =	sadd.s32 $0x1480, s25;
	[sflag:s20] =	ssyncadd.s32 $0xFFFFC000;
	(pc) =	sbr.rel @p0 .LBB2_2-.Ltmp0, $4  }
0x3e: {  	[spmem:s1] =	stream.indirect.scatter.add.f32 [tilespmem:s18], [sflag:$0x3], $0x80, s26, s16, $0xb8;
	[tilespmem:$0x1E800] =	vst v63  }
0x3f: {  	_ =	swait.ge [sflag:s14], $0x4000  }
0x40: {  	[sflag:s14] =	ssyncset.done $0x0  }
0x41: {  	s25 =	sadd.s32 $0x180, s25;
	[sflag:s14] =	ssyncadd.s32 $0xFFFFC000  }
0x42: {  	[tilespmem:s18], [sflag:$0x2] =	stream.indirect.gather [hbm4b:s4+s16], $0x80, s25, s16, $0xb8;
	[tilespmem:$0x1E800] =	vst v63  }
0x43: {  	_ =	swait.ge [sflag:s19], $0x4000  }
0x44: {  	[sflag:s19] =	ssyncset.done $0x0  }
0x45: {  	[sflag:s19] =	ssyncadd.s32 $0xFFFFC000  }
0x46: {  	[spmem:s1] =	stream.indirect.scatter.add.f32 [tilespmem:s17], [sflag:$0x3], $0x80, s21, s16, $0xb8;
	[tilespmem:$0x1E800] =	vst v63  }
0x47: {  	_ =	swait.ge [sflag:s14], $0x4000  }
0x48: {  	[sflag:s14] =	ssyncset.done $0x0  }
0x49: {  	[sflag:s14] =	ssyncadd.s32 $0xFFFFC000  }
0x4a: {  	_ =	swait.ge [sflag:s20], $0x4000  }
0x4b: {  	[sflag:s20] =	ssyncset.done $0x0  }
0x4c: {  	[sflag:s20] =	ssyncadd.s32 $0xFFFFC000  }
0x4d: {  	[spmem:s1] =	stream.indirect.scatter.add.f32 [tilespmem:s18], [sflag:$0x3], $0x80, s22, s16, $0xb8;
	[tilespmem:$0x1E800] =	vst v63  }
0x4e: {  	_ =	swait.ge [sflag:s14], $0x4000  }
0x4f: {  	[sflag:s14] =	ssyncset.done $0x0  }
0x50: {  	s24 =	simm.s32 $0x0;
	[sflag:s14] =	ssyncadd.s32 $0xFFFFC000  }
0x51: {  	[tilespmem:s24], [sflag:$0x3] =	stream.linear.gather [hbm4b:s9+s24], $0x1400, $0x38;
	[tilespmem:$0x1E800] =	vst v63  }
0x52: {  	_ =	swait.ge [sflag:s14], $0x1400  }
0x53: {  	[sflag:s14] =	ssyncset.done $0x0  }
0x54: {  	[sflag:s14] =	ssyncadd.s32 $0xFFFFEC00  }
0x55: {  	[tilespmem:s15], [sflag:$0x3] =	stream.linear.gather [hbm4b:s10+s24], $0x1400, $0x38;
	[tilespmem:$0x1E800] =	vst v63  }
0x56: {  	_ =	swait.ge [sflag:s14], $0x1400  }
0x57: {  	[sflag:s14] =	ssyncset.done $0x0  }
0x58: {  	[sflag:s14] =	ssyncadd.s32 $0xFFFFEC00  }
0x59: {  	[tilespmem:s17], [sflag:$0x1] =	stream.indirect.gather [hbm4b:s4+s16], $0x80, s24, s16, $0xb8;
	[tilespmem:$0x1E800] =	vst v63  }
0x5a: {  	_ = 	snop  }
0x5b: {  	[tilespmem:s18], [sflag:$0x2] =	stream.indirect.gather [hbm4b:s4+s16], $0x80, s16, s16, $0xb8;
	[tilespmem:$0x1E800] =	vst v63  }
0x5c: {  	_ =	swait.ge [sflag:s19], $0x4000  }
0x5d: {  	[sflag:s19] =	ssyncset.done $0x0  }
0x5e: {  	s29 =	simm.s32 $0x1400;
	[sflag:s19] =	ssyncadd.s32 $0xFFFFC000  }
0x5f: {  	[spmem:s1] =	stream.indirect.scatter.add.f32 [tilespmem:s17], [sflag:$0x3], $0x80, s29, s16, $0xb8;
	[tilespmem:$0x1E800] =	vst v63  }
0x60: {  	_ =	swait.ge [sflag:s14], $0x4000  }
0x61: {  	[sflag:s14] =	ssyncset.done $0x0  }
0x62: {  	s30 =	simm.s32 $0x100;
	[sflag:s14] =	ssyncadd.s32 $0xFFFFC000  }
0x63: {  	[tilespmem:s17], [sflag:$0x1] =	stream.indirect.gather [hbm4b:s4+s16], $0x80, s30, s16, $0xb8;
	[tilespmem:$0x1E800] =	vst v63  }
0x64: {  	_ =	swait.ge [sflag:s20], $0x4000  }
0x65: {  	[sflag:s20] =	ssyncset.done $0x0  }
0x66: {  	s31 =	simm.s32 $0x1480;
	[sflag:s20] =	ssyncadd.s32 $0xFFFFC000  }
0x67: {  	[spmem:s1] =	stream.indirect.scatter.add.f32 [tilespmem:s18], [sflag:$0x3], $0x80, s31, s16, $0xb8;
	[tilespmem:$0x1E800] =	vst v63  }
0x68: {  	_ =	swait.ge [sflag:s14], $0x4000  }
0x69: {  	[sflag:s14] =	ssyncset.done $0x0  }
0x6a: {  	s25 =	simm.s32 $0x180;
	s24 =	simm.s32 $0x400;
	[sflag:s14] =	ssyncadd.s32 $0xFFFFC000  }
.LBB2_4:
0x6b: {  	[tilespmem:s18], [sflag:$0x2] =	stream.indirect.gather [hbm4b:s4+s16], $0x80, s25, s16, $0xb8;
	[tilespmem:$0x1E800] =	vst v63  }
0x6c: {  	s25 =	smov.u32 s24  }
0x6d: {  	p0 =	sne.s32 s24, $0x4800;
	s24 =	sadd.s32 $0x400, s24;
	_ =	swait.ge [sflag:s19], $0x4000  }
0x6e: {  	s25 =	sshra.s32 s25, $0x2;
	[sflag:s19] =	ssyncset.done $0x0  }
0x6f: {  	s26 =	sadd.s32 $0x1400, s25;
	[sflag:s19] =	ssyncadd.s32 $0xFFFFC000  }
0x70: {  	[spmem:s1] =	stream.indirect.scatter.add.f32 [tilespmem:s17], [sflag:$0x3], $0x80, s26, s16, $0xb8;
	[tilespmem:$0x1E800] =	vst v63  }
0x71: {  	_ =	swait.ge [sflag:s14], $0x4000  }
0x72: {  	[sflag:s14] =	ssyncset.done $0x0  }
0x73: {  	s26 =	sadd.s32 $0x100, s25;
	[sflag:s14] =	ssyncadd.s32 $0xFFFFC000  }
0x74: {  	[tilespmem:s17], [sflag:$0x1] =	stream.indirect.gather [hbm4b:s4+s16], $0x80, s26, s16, $0xb8;
	[tilespmem:$0x1E800] =	vst v63  }
0x75: {  	_ =	swait.ge [sflag:s20], $0x4000  }
0x76: {  	[sflag:s20] =	ssyncset.done $0x0  }
.Ltmp1:
0x77: {  	s26 =	sadd.s32 $0x1480, s25;
	[sflag:s20] =	ssyncadd.s32 $0xFFFFC000;
	(pc) =	sbr.rel @p0 .LBB2_4-.Ltmp1, $4  }
0x78: {  	[spmem:s1] =	stream.indirect.scatter.add.f32 [tilespmem:s18], [sflag:$0x3], $0x80, s26, s16, $0xb8;
	[tilespmem:$0x1E800] =	vst v63  }
0x79: {  	_ =	swait.ge [sflag:s14], $0x4000  }
0x7a: {  	[sflag:s14] =	ssyncset.done $0x0  }
0x7b: {  	s25 =	sadd.s32 $0x180, s25;
	[sflag:s14] =	ssyncadd.s32 $0xFFFFC000  }
0x7c: {  	[tilespmem:s18], [sflag:$0x2] =	stream.indirect.gather [hbm4b:s4+s16], $0x80, s25, s16, $0xb8;
	[tilespmem:$0x1E800] =	vst v63  }
0x7d: {  	_ =	swait.ge [sflag:s19], $0x4000  }
0x7e: {  	[sflag:s19] =	ssyncset.done $0x0  }
0x7f: {  	[sflag:s19] =	ssyncadd.s32 $0xFFFFC000  }
0x80: {  	[spmem:s1] =	stream.indirect.scatter.add.f32 [tilespmem:s17], [sflag:$0x3], $0x80, s21, s16, $0xb8;
	[tilespmem:$0x1E800] =	vst v63  }
0x81: {  	_ =	swait.ge [sflag:s14], $0x4000  }
0x82: {  	[sflag:s14] =	ssyncset.done $0x0  }
0x83: {  	[sflag:s14] =	ssyncadd.s32 $0xFFFFC000  }
0x84: {  	_ =	swait.ge [sflag:s20], $0x4000  }
0x85: {  	[sflag:s20] =	ssyncset.done $0x0  }
0x86: {  	[sflag:s20] =	ssyncadd.s32 $0xFFFFC000  }
0x87: {  	[spmem:s1] =	stream.indirect.scatter.add.f32 [tilespmem:s18], [sflag:$0x3], $0x80, s22, s16, $0xb8;
	[tilespmem:$0x1E800] =	vst v63  }
0x88: {  	_ =	swait.ge [sflag:s14], $0x4000  }
0x89: {  	s23 =	sadd.s32 $0x1, s23;
	[sflag:s14] =	ssyncset.done $0x0  }
0x8a: {  	p0 =	sne.s32 s23, s12;
	[sflag:s14] =	ssyncadd.s32 $0xFFFFC000  }
.Ltmp2:
0x8b: {  	[bflag:$0x0] =	sbarrier.arrive $0xFFFF;
	(pc) =	sbr.rel @p0 .LBB2_1-.Ltmp2, $4  }
0x8c: {  	[hbm:s11], [sflag:s6] =	dma.local [spmem:s13], $0x2800  }
0x8d: {  	_ =	swait.ge [sflag:s14], $0x2800  }
0x8e: {  	[sflag:s14] =	ssyncset.done $0x0  }
0x8f: {  	[sflag:s14] =	ssyncadd.s32 $0xFFFFD800  }
0x90: {  	_ =	sfence.sel $0x180000  }
0x91: {  	[bflag:$0x0] =	sbarrier.arrive $0xFFFF  }
0x92: {  	p0 =	sne.s32 s2, $0x0;
	_ =	strace $0x9000004D  }
0x93: {  	s0 =	sadd.s32 @!p0 $0x100000, s0;
	[bflag:$0x2] =	sbarrier.arrive $0xFFFF  }
0x94: {  	[sflag:s0] =	ssyncadd.tile.s32 @!p0 $0x1;
	_ =	shalt  }
.Lfunc_end2:
_tile_overlayer_lowered:
.L_overlay_start_2:
0x95: {  	(tag) =	ssettag $0x2  }
0x96: {  	s0 =	rddreg [dreg:$0x0];
	s2 =	stileid.u32  }
0x97: {  	s1 =	rddreg [dreg:$0x1];
	p0 =	sne.s32 s2, $0x0  }
0x98: {  	s3 =	rddreg [dreg:$0x2];
	[bflag:$0x3] =	sbarrier.arrive $0xFFFF;
	s2 =	simm.s32 @!p0 $0x1C03  }
0x99: {  	[timem:s3], [sflag:s2] =	dma.local @!p0 [hbm:s0], s1  }
0x9a: {  	s0 =	simm.s32 @!p0 $0x3  }
0x9b: {  	_ =	swait.ge @!p0 [sflag:s0], s1  }
0x9c: {  	s1 =	ssub.s32 @!p0 $0x0, s1;
	[sflag:s0] =	ssyncset.done @!p0 $0x0  }
0x9d: {  	[sflag:s0] =	ssyncadd.s32 @!p0 s1  }
0x9e: {  	[bflag:$0x3] =	sbarrier.arrive $0xFFFF  }
0x9f: {  	_ =	shalt  }

// kernel: kernel.8.cloned.1.call-start
scs
__scs_entry_jumppad:
0x0: {  	(pc) =	sbr.rel $0x88, $3  }
0x1: {  	(tag) =	ssettag $0x0;
	lr =	simm.s32 $0x1  }
0x2: {  	[smem:$0x3F96] =	sst lr;
	_ =	strace $0xD0000000  }
0x3: {  	_ = 	snop  }
0x4: {  	_ = 	snop  }
0x5: {  	_ = 	snop  }
0x6: {  	_ = 	snop  }
0x7: {  	_ = 	snop  }
__scs_overlays_trampoline_lowered:
0x8: {  	[smem:$0x3FA5] =	sst s0  }
0x9: {  	[smem:$0x3FA6] =	sst s1  }
0xa: {  	[smem:$0x3FA7] =	sst s2  }
0xb: {  	[smem:$0x3FA8] =	sst s3  }
0xc: {  	[smem:$0x3FA9] =	sst s4  }
0xd: {  	[smem:$0x3FAA] =	sst s5  }
0xe: {  	[smem:$0x3FAB] =	sst s6  }
0xf: {  	[smem:$0x3FAC] =	sst s7  }
0x10: {  	[smem:$0x3FAD] =	sst s8  }
0x11: {  	[smem:$0x3FAE] =	sst s9;
	s0 =	simm.s32 @!p0 $0x0  }
0x12: {  	s1 =	sld [smem:$0x3F94];
	s0 =	simm.s32 @p0 $0x1  }
0x13: {  	[smem:$0x3FAF] =	sst s0;
	s0 =	simm.s32 @!p1 $0x0  }
0x14: {  	s2 =	sld [smem:$0x3F93];
	s0 =	simm.s32 @p1 $0x1  }
0x15: {  	[smem:$0x3FB0] =	sst s0;
	s0 =	simm.s32 @!p2 $0x0  }
0x16: {  	s3 =	sld [smem:$0x3FDB];
	s0 =	simm.s32 @p2 $0x1  }
0x17: {  	s4 =	simm.s32 $0x1BF5;
	[smem:$0x3FB2] =	sst s0  }
0x18: {  	s0 =	sld [smem:$0x3F95];
	_ =	swait.ge [sflag:s4], $0x0  }
0x19: {  	s7 =	sld [smem:$0x3F96]  }
0x1a: {  	s8 =	sadd.s32 $0xFFFFE003, lr  }
0x1b: {  	s9 =	sadd.s32 $0xFFFFFEF7, lr;
	s5 =	simm.s32 $0xFFFFFFFF;
	p2 =	slt.u32 s8, $0xFFFFF086  }
0x1c: {  	p1 =	slt.u32 s9, $0xF7A;
	s5 =	simm.s32 @!p2 $0x0  }
0x1d: {  	s5 =	simm.s32 @p1 $0x1;
	p0 =	seq.s32 s7, s2  }
0x1e: {  	s7 =	smul.u32 @!p0 $0xF7A, s2;
	p2 =	seq.s32 @!p0 s5, $0x0  }
0x1f: {  	s9 =	smul.u32 $0xF7A, s1;
	s8 =	simm.s32 @!p0 $0x1BF5;
	p2 =	por !p2, p0  }
0x20: {  	[sflag:s8] =	ssyncset.s32 @!p0 $0xFFFFF086;
	s6 =	sadd.s32 @!p0 s3, s7;
	s7 =	simm.s32 @!p0 $0x108  }
0x21: {  	s3 =	sadd.s32 s3, s9;
	s6 =	sadd.s32 @!p0 $0x88, s6;
	s7 =	simm.s32 @p2 $0x1082  }
0x22: {  	[simem:s7], [sflag:s8] =	dma.local @!p0 [hbm:s6], $0xF7A  }
0x23: {  	s9 =	sor.u32 $0xD0000000, s2;
	s6 =	simm.s32 $0x108;
	_ =	swait.ge @!p0 [sflag:s8], $0x0  }
0x24: {  	s3 =	sadd.s32 $0x88, s3;
	s6 =	simm.s32 @!p1 $0x1082;
	[sflag:s4] =	ssyncset.s32 $0xFFFFF086  }
0x25: {  	[simem:s6], [sflag:s4] =	dma.local [hbm:s3], $0xF7A  }
0x26: {  	[smem:$0x3F96] =	sst s1;
	(tag) =	ssettag s2;
	_ =	strace s9  }
0x27: {  	s1 =	sld [smem:$0x3FA6]  }
0x28: {  	s2 =	sld [smem:$0x3FA7]  }
0x29: {  	s4 =	sld [smem:$0x3FA9]  }
0x2a: {  	p0 =	seq.s32 s5, $0x0;
	s5 =	sld [smem:$0x3FAA]  }
0x2b: {  	s6 =	sld [smem:$0x3FAB]  }
0x2c: {  	s7 =	sld [smem:$0x3FAC]  }
0x2d: {  	s3 =	simm.s32 $0x108;
	s8 =	sld [smem:$0x3FAD]  }
0x2e: {  	s3 =	simm.s32 @!p0 $0x1082;
	s9 =	sld [smem:$0x3FAE]  }
0x2f: {  	lr =	sadd.s32 s0, s3;
	s0 =	sld [smem:$0x3FA5]  }
0x30: {  	s3 =	sld [smem:$0x3FA8]  }
0x31: {  	[smem:$0x3FB1] =	sst s10  }
0x32: {  	s10 =	sld [smem:$0x3FAF];
	_ =	sdelay $0x3  }
0x33: {  	p0 =	seq.s32 s10, $0x1;
	s10 =	sld [smem:$0x3FB1];
	_ =	sdelay $0x3  }
0x34: {  	[smem:$0x3FB1] =	sst s10  }
0x35: {  	s10 =	sld [smem:$0x3FB0];
	_ =	sdelay $0x3  }
0x36: {  	p1 =	seq.s32 s10, $0x1;
	s10 =	sld [smem:$0x3FB1];
	_ =	sdelay $0x3  }
0x37: {  	[smem:$0x3FB1] =	sst s10  }
0x38: {  	s10 =	sld [smem:$0x3FB2]  }
0x39: {  	_ = 	snop;
	(pc) =	sbr.ind lr, $3  }
0x3a: {  	_ = 	snop  }
0x3b: {  	_ = 	snop  }
0x3c: {  	p2 =	seq.s32 s10, $0x1;
	s10 =	sld [smem:$0x3FB1]  }
0x3d: {  	_ =	shalt  }
0x3e: {  	_ =	shalt  }
0x3f: {  	_ =	shalt  }
0x40: {  	_ =	shalt  }
0x41: {  	_ =	shalt  }
0x42: {  	_ =	shalt  }
0x43: {  	_ =	shalt  }
0x44: {  	_ =	shalt  }
0x45: {  	_ =	shalt  }
0x46: {  	_ =	shalt  }
0x47: {  	_ =	shalt  }
0x48: {  	_ =	shalt  }
0x49: {  	_ =	shalt  }
0x4a: {  	_ =	shalt  }
0x4b: {  	_ =	shalt  }
0x4c: {  	_ =	shalt  }
0x4d: {  	_ =	shalt  }
0x4e: {  	_ =	shalt  }
0x4f: {  	_ =	shalt  }
0x50: {  	_ =	shalt  }
0x51: {  	_ =	shalt  }
0x52: {  	_ =	shalt  }
0x53: {  	_ =	shalt  }
0x54: {  	_ =	shalt  }
0x55: {  	_ =	shalt  }
0x56: {  	_ =	shalt  }
0x57: {  	_ =	shalt  }
0x58: {  	_ =	shalt  }
0x59: {  	_ =	shalt  }
0x5a: {  	_ =	shalt  }
0x5b: {  	_ =	shalt  }
0x5c: {  	_ =	shalt  }
0x5d: {  	_ =	shalt  }
0x5e: {  	_ =	shalt  }
0x5f: {  	_ =	shalt  }
0x60: {  	_ =	shalt  }
0x61: {  	_ =	shalt  }
0x62: {  	_ =	shalt  }
0x63: {  	_ =	shalt  }
0x64: {  	_ =	shalt  }
0x65: {  	_ =	shalt  }
0x66: {  	_ =	shalt  }
0x67: {  	_ =	shalt  }
0x68: {  	_ =	shalt  }
0x69: {  	_ =	shalt  }
0x6a: {  	_ =	shalt  }
0x6b: {  	_ =	shalt  }
0x6c: {  	_ =	shalt  }
0x6d: {  	_ =	shalt  }
0x6e: {  	_ =	shalt  }
0x6f: {  	_ =	shalt  }
0x70: {  	_ =	shalt  }
0x71: {  	_ =	shalt  }
0x72: {  	_ =	shalt  }
0x73: {  	_ =	shalt  }
0x74: {  	_ =	shalt  }
0x75: {  	_ =	shalt  }
0x76: {  	_ =	shalt  }
0x77: {  	_ =	shalt  }
0x78: {  	_ =	shalt  }
0x79: {  	_ =	shalt  }
0x7a: {  	_ =	shalt  }
0x7b: {  	_ =	shalt  }
0x7c: {  	_ =	shalt  }
0x7d: {  	_ =	shalt  }
0x7e: {  	_ =	shalt  }
0x7f: {  	_ =	shalt  }
0x80: {  	_ =	shalt  }
0x81: {  	_ =	shalt  }
0x82: {  	_ =	shalt  }
0x83: {  	_ =	shalt  }
0x84: {  	_ =	shalt  }
0x85: {  	_ =	shalt  }
0x86: {  	_ =	shalt  }
0x87: {  	_ =	shalt  }
.Lfunc_end0:
.L_simem_size_0:
called_computation_lowered:
.L_overlay_start_0:
0x88: {  	s2 =	sld [smem:$0x3FD9]  }
0x89: {  	s3 =	sld [smem:$0x3FFE];
	_ =	sdelay $0x1  }
0x8a: {  	s1 =	srdreg.scid  }
0x8b: {  	s0 =	sand.u32 $0x1, s1  }
0x8c: {  	s16 =	sshll.u32 s0, $0xA;
	s2 =	sadd.s32 s3, s2  }
0x8d: {  	s2 =	sadd.s32 s2, s16  }
0x8e: {  	[smem:$0x3FBD] =	sst s2  }
0x8f: {  	_ = 	snop  }
0x90: {  	(tm) =	ssettm $0x1  }
0x91: {  	s17 =	sld [smem:$0x3FFB];
	_ =	sdelay $0x3  }
0x92: {  	_ =	strace s17  }
0x93: {  	s2 =	sld [smem:$0x3FFC];
	_ =	sdelay $0x3  }
0x94: {  	_ =	strace s2  }
0x95: {  	s2 =	sld [smem:$0x3FFD];
	_ =	sdelay $0x3  }
0x96: {  	_ =	strace s2  }
0x97: {  	_ =	strace $0x8FFFFFFF  }
0x98: {  	s18 =	sld [smem:$0x3FDB];
	_ =	sdelay $0x1  }
0x99: {  	s19 =	simm.s32 $_scs_section_size  }
0x9a: {  	s4 =	simm.s32 $_size__tile_overlayer_lowered;
	s5 =	simm.s32 $_tile_overlayer_lowered  }
0x9b: {  	s22 =	simm.s32 $0x1BFF;
	s21 =	sshll.u32 s5, $0x1;
	s2 =	sadd.s32 s19, s18  }
0x9c: {  	s6 =	simm.s32 $0x0;
	s20 =	sshll.u32 s4, $0x1;
	s4 =	sadd.s32 s21, s2  }
0x9d: {  	[timem:s6], [sflag:s22] =	dma.local [hbm:s4], s20  }
0x9e: {  	_ =	swait.ge [sflag:s22], s20  }
0x9f: {  	s3 =	ssub.s32 $0x0, s20;
	[sflag:s22] =	ssyncset.done $0x0  }
0xa0: {  	[sflag:s22] =	ssyncadd.s32 s3;
	_ =	sdelay $0x1  }
0xa1: {  	s23 =	simm.s32 $0x1B8B  }
0xa2: {  	_ =	swait.ge [sflag:s23], $0x1  }
0xa3: {  	[sflag:s23] =	ssyncset.done $0x0  }
0xa4: {  	s25 =	simm.s32 $0x1B8E;
	s24 =	sld [smem:$0x3FFE];
	[sflag:s23] =	ssyncadd.s32 $0xFFFFFFFF  }
0xa5: {  	s26 =	simm.s32 $execute0_lowered;
	[smem:$0x3FD2] =	sst s25  }
0xa6: {  	s4 =	sshll.u32 s26, $0x1;
	_ =	strace $0x80000046;
	[dreg:$0x1] =	wrdreg $0xFFFFFFFF  }
0xa7: {  	s28 =	simm.s32 $_size_execute0_lowered;
	s2 =	sadd.s32 s2, s4;
	[dreg:$0x0] =	wrdreg $0x0  }
0xa8: {  	s4 =	sshll.u32 s28, $0x1;
	[dreg:$0x2] =	wrdreg s2  }
0xa9: {  	[dreg:$0x3] =	wrdreg s4  }
0xaa: {  	[dreg:$0x4] =	wrdreg $0xC0  }
0xab: {  	_ =	task [dreg:s6], $0x5FFFF  }
0xac: {  	[dreg:$0x1] =	wrdreg $0xFFFFFFFF  }
0xad: {  	[dreg:$0x0] =	wrdreg $0x60  }
0xae: {  	[dreg:$0x2] =	wrdreg s24  }
0xaf: {  	[dreg:$0x3] =	wrdreg $0x68000  }
0xb0: {  	[dreg:$0x4] =	wrdreg $0x9  }
0xb1: {  	_ =	task.clear_ibuf [dreg:s6], $0x5FFFF;
	_ =	strace $0x90000046  }
0xb2: {  	s29 =	simm.s32 $0x9;
	_ =	strace $0x80000048  }
0xb3: {  	_ =	swait.ge [sflag:s29], $0x1  }
0xb4: {  	[sflag:s29] =	ssyncadd.s32 $0xFFFFFFFF  }
0xb5: {  	_ =	strace $0x90000048  }
0xb6: {  	_ =	sfence  }
0xb7: {  	s30 =	sld [smem:$0x0];
	_ =	sdelay $0x2  }
0xb8: {  	s31 =	sshll.u32 s1, $0xD;
	s1 =	sshrl.u32 s1, $0x2  }
0xb9: {  	s3 =	sand.u32 $0x4000, s31;
	s1 =	sadd.s32 s1, s30  }
0xba: {  	s0 =	sor.u32 s3, s0;
	s1 =	sshll.u32 s1, $0x11  }
0xbb: {  	s0 =	sor.u32 s1, s0  }
0xbc: {  	s0 =	sadd.s32 $0x8F2B, s0  }
0xbd: {  	[sflag:s0] =	ssyncadd.remote.s32 $0x1  }
0xbe: {  	_ =	sfence.sel $0xFFFF  }
0xbf: {  	[dreg:$0x0] =	wrdreg $0xFFFFFFFF;
	(pc) =	sbr.abs _section_cstart, $3  }
0xc0: {  	[dreg:$0x1] =	wrdreg $0xFFFFFFFF  }
0xc1: {  	_ =	task.clear_ibuf [dreg:s6], $0x2FFFF;
	_ =	strace $0x9FFFFFFF  }
0xc2: {  	(tm) =	ssettm $0x7FFFFFFF  }
0xc3: {  	_ =	shalt  }
tec
execute0_lowered:
.L_overlay_start_1:
0x0: {  	(tag) =	ssettag $0x1  }
0x1: {  	s7 =	rddreg [dreg:$0x0]  }
0x2: {  	s0 =	srdreg.scid;
	s2 =	rddreg [dreg:$0x1]  }
0x3: {  	s3 =	simm.s32 $0x0;
	s12 =	simm.s32 $0x2800;
	s6 =	sand.u32 $0x1, s0  }
0x4: {  	s13 =	simm.s32 $0x80;
	s0 =	stileid.u32;
	s5 =	smul.u32 $0x140000, s6  }
0x5: {  	s14 =	simm.s32 $0x0;
	[smem:$0x7FF] =	sst s3;
	s8 =	smul.u32 $0x14000, s0  }
0x6: {  	s1 =	sshll.u32 s6, $0x4;
	s10 =	smul.u32 $0x50000, s0;
	s6 =	ssub.s32 $0x2, s6  }
0x7: {  	s31 =	sshll.u32 s0, $0x6;
	s1 =	sor.u32 s0, s1;
	s30 =	sshrl.u32 s6, $0x1  }
0x8: {  	s4 =	smul.u32 $0x500, s1;
	s1 =	rddreg [dreg:$0x2];
	_ =	strace $0x80000047  }
0x9: {  	s8 =	sadd.s32 s8, s5;
	s5 =	sadd.s32 $0xD200, s7;
	s10 =	sshrl.u32 s10, $0x2  }
0xa: {  	s11 =	ssub.s32 s6, s30;
	s6 =	sor.u32 $0x1C01, s31;
	s8 =	sshrl.u32 s8, $0x3  }
0xb: {  	s10 =	sadd.s32 s10, s2;
	s9 =	sadd.s32 s4, s7;
	s4 =	sadd.s32 $0xFA00, s7  }
0xc: {  	s8 =	sadd.s32 s8, s7;
	s10 =	sshrl.u32 s10, $0x3;
	s7 =	sadd.s32 $0x3200, s9  }
0xd: {  	s8 =	sadd.s32 $0x10200, s8;
	s9 =	smax.u32 s11, $0x1;
	s11 =	simm.s32 $0x1  }
.LBB2_1:
0xe: {  	[spmem:s10], [sflag:s6] =	dma.local [hbm:s5], $0x2800  }
0xf: {  	_ =	swait.ge [sflag:s11], $0x2800  }
0x10: {  	[sflag:s11] =	ssyncset.done $0x0  }
0x11: {  	[sflag:s11] =	ssyncadd.s32 $0xFFFFD800  }
0x12: {  	[tilespmem:s3], [sflag:$0x1] =	stream.linear.gather [hbm4b:s7+s3], $0x2800, $0x38;
	[tilespmem:$0x1A800] =	vst v63  }
0x13: {  	_ =	swait.ge [sflag:s11], $0x2800  }
0x14: {  	[sflag:s11] =	ssyncset.done $0x0  }
0x15: {  	[sflag:s11] =	ssyncadd.s32 $0xFFFFD800  }
0x16: {  	[tilespmem:s12], [sflag:$0x1] =	stream.linear.gather [hbm4b:s4+s3], $0x4000, $0x38;
	[tilespmem:$0x1A800] =	vst v63  }
0x17: {  	_ =	swait.ge [sflag:s11], $0x4000  }
0x18: {  	[sflag:s11] =	ssyncset.done $0x0  }
0x19: {  	[sflag:s11] =	ssyncadd.s32 $0xFFFFC000  }
0x1a: {  	s15 =	simm.s32 $0x0;
	[bflag:$0x0] =	sbarrier.arrive $0xFFFF  }
0x1b: {  	[spmem:s2] =	stream.indirect.scatter.add.f32 [tilespmem:s12], [sflag:$0x1], $0x80, s15, s13, $0xb8;
	[tilespmem:$0x1A800] =	vst v63  }
0x1c: {  	_ =	swait.ge [sflag:s11], $0x4000  }
0x1d: {  	s15 =	simm.s32 $0x200;
	[sflag:s11] =	ssyncset.done $0x0  }
.LBB2_2:
0x1e: {  	s16 =	sshra.s32 s15, $0x2;
	[sflag:s11] =	ssyncadd.s32 $0xFFFFC000;
	p0 =	sne.s32 s15, $0x9E00  }
0x1f: {  	[spmem:s2] =	stream.indirect.scatter.add.f32 [tilespmem:s12], [sflag:$0x1], $0x80, s16, s13, $0xb8;
	[tilespmem:$0x1A800] =	vst v63  }
.Ltmp0:
0x20: {  	_ = 	snop;
	(pc) =	sbr.rel @p0 .LBB2_2-.Ltmp0, $4  }
0x21: {  	_ = 	snop  }
0x22: {  	s15 =	sadd.s32 $0x200, s15  }
0x23: {  	_ =	swait.ge [sflag:s11], $0x4000  }
0x24: {  	[sflag:s11] =	ssyncset.done $0x0  }
0x25: {  	s14 =	sadd.s32 $0x1, s14  }
0x26: {  	[sflag:s11] =	ssyncadd.s32 $0xFFFFC000;
	p0 =	sne.s32 s14, s9  }
.Ltmp1:
0x27: {  	[bflag:$0x0] =	sbarrier.arrive $0xFFFF;
	(pc) =	sbr.rel @p0 .LBB2_1-.Ltmp1, $4  }
0x28: {  	[hbm:s8], [sflag:s6] =	dma.local [spmem:s10], $0x2800  }
0x29: {  	_ =	swait.ge [sflag:s11], $0x2800  }
0x2a: {  	[sflag:s11] =	ssyncset.done $0x0  }
0x2b: {  	[sflag:s11] =	ssyncadd.s32 $0xFFFFD800  }
0x2c: {  	_ =	sfence.sel $0x180000  }
0x2d: {  	[bflag:$0x0] =	sbarrier.arrive $0xFFFF  }
0x2e: {  	p0 =	sne.s32 s0, $0x0;
	_ =	strace $0x90000047  }
0x2f: {  	s0 =	sadd.s32 @!p0 $0x100000, s1;
	[bflag:$0x2] =	sbarrier.arrive $0xFFFF  }
0x30: {  	[sflag:s0] =	ssyncadd.tile.s32 @!p0 $0x1;
	_ =	shalt  }
.Lfunc_end2:
_tile_overlayer_lowered:
.L_overlay_start_2:
0x31: {  	(tag) =	ssettag $0x2  }
0x32: {  	s0 =	rddreg [dreg:$0x0];
	s2 =	stileid.u32  }
0x33: {  	s1 =	rddreg [dreg:$0x1];
	p0 =	sne.s32 s2, $0x0  }
0x34: {  	s3 =	rddreg [dreg:$0x2];
	[bflag:$0x3] =	sbarrier.arrive $0xFFFF;
	s2 =	simm.s32 @!p0 $0x1C01  }
0x35: {  	[timem:s3], [sflag:s2] =	dma.local @!p0 [hbm:s0], s1  }
0x36: {  	s0 =	simm.s32 @!p0 $0x1  }
0x37: {  	_ =	swait.ge @!p0 [sflag:s0], s1  }
0x38: {  	s1 =	ssub.s32 @!p0 $0x0, s1;
	[sflag:s0] =	ssyncset.done @!p0 $0x0  }
0x39: {  	[sflag:s0] =	ssyncadd.s32 @!p0 s1  }
0x3a: {  	[bflag:$0x3] =	sbarrier.arrive $0xFFFF  }
0x3b: {  	_ =	shalt  }

</sc_bundles>
